<compile_context>
chip_gen: v7x
topology: tpu7x:2x2x1
jax: 0.10.2.dev20260603
libtpu: 0.0.44.dev20260713+nightly
codegen_flags: <defaults>
</compile_context>

<pallas_src>
import functools

import jax
import jax.numpy as jnp
from jax import lax
from jax.experimental import pallas as pl
from jax.experimental.pallas import tpu as pltpu
from jax.experimental.pallas import tpu_sc as plsc

B = 16
N = 4096
M = 128
KNN = 32
ROWS = B * M * KNN



def _fps_body(x_ref, y_ref, z_ref, cx_ref, cy_ref, cz_ref):
    x = x_ref[...]
    y = y_ref[...]
    z = z_ref[...]
    pt = jax.lax.broadcasted_iota(jnp.int32, (B, N), 1)

    def body(i, carry):
        dist, far = carry
        cm = pt == far[:, None]
        cx = jnp.sum(jnp.where(cm, x, 0.0), axis=1)
        cy = jnp.sum(jnp.where(cm, y, 0.0), axis=1)
        cz = jnp.sum(jnp.where(cm, z, 0.0), axis=1)
        cx_ref[pl.ds(i, 1), :] = cx[None, :]
        cy_ref[pl.ds(i, 1), :] = cy[None, :]
        cz_ref[pl.ds(i, 1), :] = cz[None, :]
        dx = x - cx[:, None]
        dy = y - cy[:, None]
        dz = z - cz[:, None]
        d = dx * dx + dy * dy + dz * dz
        dist = jnp.minimum(dist, d)
        rm = jnp.max(dist, axis=1)
        far = jnp.min(jnp.where(dist == rm[:, None], pt, N), axis=1).astype(jnp.int32)
        return dist, far

    dist0 = jnp.full((B, N), jnp.inf, dtype=jnp.float32)
    far0 = jnp.zeros((B,), dtype=jnp.int32)
    jax.lax.fori_loop(0, M, body, (dist0, far0))


def _run_fps(xt):
    out = pl.pallas_call(
        _fps_body,
        out_shape=[jax.ShapeDtypeStruct((M, B), jnp.float32)] * 3,
    )(xt[0], xt[1], xt[2])
    return out



def _dist_body(x_ref, y_ref, z_ref, cx_ref, cy_ref, cz_ref, d_ref):
    x = x_ref[0]
    y = y_ref[0]
    z = z_ref[0]
    cx = cx_ref[0]
    cy = cy_ref[0]
    cz = cz_ref[0]
    dxx = cx - x
    dyy = cy - y
    dzz = cz - z
    d_ref[0] = dxx * dxx + dyy * dyy + dzz * dzz


def _run_dist(xt, cxt):
    grid = (B,)
    pspec = pl.BlockSpec((1, 1, N), lambda b: (b, 0, 0))
    cspec = pl.BlockSpec((1, M, 1), lambda b: (b, 0, 0))
    return pl.pallas_call(
        _dist_body,
        grid=grid,
        in_specs=[pspec] * 3 + [cspec] * 3,
        out_specs=pl.BlockSpec((1, M, N), lambda b: (b, 0, 0)),
        out_shape=jax.ShapeDtypeStruct((B, M, N), jnp.float32),
    )(xt[0], xt[1], xt[2], cxt[0], cxt[1], cxt[2])



_ROWS_W = 64
_GRP = 8
_NBKT = 4096


def _knn_sc_body(d_hbm, x_hbm, y_hbm, z_hbm, cx_hbm, cy_hbm, cz_hbm,
                 px_hbm, py_hbm, pz_hbm,
                 dbuf, xbuf, ybuf, zbuf, cxb, cyb, czb,
                 hist, idxb, eqv, eqi, pxs, pys, pzs):
    wid = lax.axis_index("s") * 2 + lax.axis_index("c")
    b = wid // 2
    m0 = (wid % 2) * _ROWS_W
    io = lax.iota(jnp.int32, 16)
    ones16 = jnp.ones((16,), jnp.int32)
    zero16 = jnp.zeros((16,), jnp.int32)
    inf16 = jnp.full((16,), jnp.inf, jnp.float32)

    pltpu.sync_copy(x_hbm.at[b], xbuf)
    pltpu.sync_copy(y_hbm.at[b], ybuf)
    pltpu.sync_copy(z_hbm.at[b], zbuf)
    pltpu.sync_copy(cx_hbm.at[b, pl.ds(m0, _ROWS_W)], cxb)
    pltpu.sync_copy(cy_hbm.at[b, pl.ds(m0, _ROWS_W)], cyb)
    pltpu.sync_copy(cz_hbm.at[b, pl.ds(m0, _ROWS_W)], czb)

    def group(g, _g):
        pltpu.sync_copy(d_hbm.at[b, pl.ds(m0 + g * _GRP, _GRP)], dbuf)

        def row(rr, _r):
            rl = g * _GRP + rr

            @plsc.parallel_loop(0, 128, unroll=4, carry=(inf16, inf16))
            def scan1(c, carry):
                a, bb = carry
                va = dbuf[rr, pl.ds(pl.multiple_of(c * 16, 16), 16)]
                vb = dbuf[rr, pl.ds(pl.multiple_of((c + 128) * 16, 16), 16)]
                return jnp.minimum(a, va), jnp.minimum(bb, vb)

            accA, accB = scan1
            minv = jnp.min(jnp.minimum(accA, accB))
            q = jnp.maximum(jnp.max(accA), jnp.max(accB))
            den = jnp.maximum(q - minv, jnp.float32(1e-30))
            s = jnp.full((16,), 4094.0, jnp.float32) / jnp.full(
                (16,), den, jnp.float32)

            @plsc.parallel_loop(0, _NBKT // 16, unroll=8)
            def _clr(c):
                hist[pl.ds(pl.multiple_of(c * 16, 16), 16)] = zero16

            @plsc.parallel_loop(0, 256, unroll=4)
            def _hp(c):
                v = dbuf[rr, pl.ds(pl.multiple_of(c * 16, 16), 16)]
                bi = jnp.minimum((v - minv) * s, 4095.0).astype(jnp.int32)
                plsc.addupdate_scatter(hist, [bi], ones16)

            def condf(carry):
                j, tot, found, beta, below = carry
                return jnp.logical_and(found == 0, j < _NBKT // 16)

            def bodyf(carry):
                j, tot, found, beta, below = carry
                hv = hist[pl.ds(pl.multiple_of(j * 16, 16), 16)]
                pc = plsc.cumsum(hv)
                ta = pc + tot
                cr = ta >= KNN
                anyc = jnp.any(cr)
                l = jnp.min(jnp.where(cr, io, 16))
                below_c = jnp.maximum(jnp.max(jnp.where(cr, 0, ta)), tot)
                beta = jnp.where(anyc, j * 16 + l, beta)
                below = jnp.where(anyc, below_c, below)
                found = jnp.where(anyc, 1, found)
                return j + 1, jnp.max(ta), found, beta, below

            _, _, _, beta, below = lax.while_loop(
                condf, bodyf, (0, 0, 0, 0, 0))

            eqv[...] = inf16
            eqi[...] = zero16

            @plsc.parallel_loop(0, 256, unroll=2,
                                carry=(jnp.int32(0), jnp.int32(0)))
            def _cp(c, carry):
                v = dbuf[rr, pl.ds(pl.multiple_of(c * 16, 16), 16)]
                bi = jnp.minimum((v - minv) * s, 4095.0).astype(jnp.int32)

                def heavy(args):
                    bc, ec = args
                    pidx = io + c * 16
                    mlow = bi < beta
                    pcl = plsc.cumsum(mlow.astype(jnp.int32))
                    plsc.store_scatter(idxb, [pcl - 1 + bc], pidx, mask=mlow)
                    meq = bi == beta
                    pce = plsc.cumsum(meq.astype(jnp.int32))
                    pose = pce - 1 + ec
                    meq2 = jnp.logical_and(meq, pose < 16)
                    plsc.store_scatter(eqv, [pose], v, mask=meq2)
                    plsc.store_scatter(eqi, [pose], pidx, mask=meq2)
                    return bc + jnp.max(pcl), ec + jnp.max(pce)

                return lax.cond(jnp.min(bi) <= beta, heavy,
                                lambda a: a, carry)

            sv, si = plsc.sort_key_val(eqv[...], eqi[...])
            plsc.store_scatter(idxb, [io + below], si,
                               mask=io < (KNN - below))

            rls = jnp.full((16,), rl, jnp.int32)
            cxs = plsc.load_gather(cxb, [rls])
            cys = plsc.load_gather(cyb, [rls])
            czs = plsc.load_gather(czb, [rls])
            i0 = idxb[pl.ds(0, 16)]
            i1 = idxb[pl.ds(16, 16)]
            plsc.store_scatter(pxs, [rls, io], plsc.load_gather(xbuf, [i0]) - cxs)
            plsc.store_scatter(pxs, [rls, io + 16], plsc.load_gather(xbuf, [i1]) - cxs)
            plsc.store_scatter(pys, [rls, io], plsc.load_gather(ybuf, [i0]) - cys)
            plsc.store_scatter(pys, [rls, io + 16], plsc.load_gather(ybuf, [i1]) - cys)
            plsc.store_scatter(pzs, [rls, io], plsc.load_gather(zbuf, [i0]) - czs)
            plsc.store_scatter(pzs, [rls, io + 16], plsc.load_gather(zbuf, [i1]) - czs)
            return 0

        lax.fori_loop(0, _GRP, row, 0)
        return 0

    lax.fori_loop(0, _ROWS_W // _GRP, group, 0)

    pltpu.sync_copy(pxs, px_hbm.at[b, pl.ds(m0, _ROWS_W)])
    pltpu.sync_copy(pys, py_hbm.at[b, pl.ds(m0, _ROWS_W)])
    pltpu.sync_copy(pzs, pz_hbm.at[b, pl.ds(m0, _ROWS_W)])


def _run_knn_sc(D, xb, yb, zb, cxb, cyb, czb):
    f32, i32 = jnp.float32, jnp.int32
    knn = functools.partial(
        pl.kernel,
        mesh=plsc.VectorSubcoreMesh(core_axis_name="c", subcore_axis_name="s"),
        compiler_params=pltpu.CompilerParams(needs_layout_passes=False),
        out_type=[jax.ShapeDtypeStruct((B, M, KNN), f32)] * 3,
        scratch_types=[
            pltpu.VMEM((_GRP, N), f32),
            pltpu.VMEM((N,), f32),
            pltpu.VMEM((N,), f32),
            pltpu.VMEM((N,), f32),
            pltpu.VMEM((_ROWS_W,), f32),
            pltpu.VMEM((_ROWS_W,), f32),
            pltpu.VMEM((_ROWS_W,), f32),
            pltpu.VMEM((_NBKT,), i32),
            pltpu.VMEM((KNN,), i32),
            pltpu.VMEM((16,), f32),
            pltpu.VMEM((16,), i32),
            pltpu.VMEM((_ROWS_W, KNN), f32),
            pltpu.VMEM((_ROWS_W, KNN), f32),
            pltpu.VMEM((_ROWS_W, KNN), f32),
        ],
    )(_knn_sc_body)
    return knn(D, xb, yb, zb, cxb, cyb, czb)



G1 = 32
GR = (B * M) // G1

def _mlp1_body(px_ref, py_ref, pz_ref, w_ref, b_ref, z_ref, s_ref, q_ref):
    px = px_ref[...]
    py = py_ref[...]
    pz = pz_ref[...]
    wx = w_ref[0]
    wy = w_ref[1]
    wz = w_ref[2]
    b = b_ref[...]
    z = (px[:, :, None] * wx[None, None, :]
         + py[:, :, None] * wy[None, None, :]
         + pz[:, :, None] * wz[None, None, :]
         + b[None, :, :])
    z_ref[...] = z

    @pl.when(pl.program_id(0) == 0)
    def _():
        s_ref[...] = jnp.zeros_like(s_ref)
        q_ref[...] = jnp.zeros_like(q_ref)

    s_ref[...] += jnp.sum(z, axis=(0, 1))[None, :]
    q_ref[...] += jnp.sum(z * z, axis=(0, 1))[None, :]


def _run_mlp1(px2, py2, pz2, W1, b1):
    grid = (G1,)
    pspec = pl.BlockSpec((GR, KNN), lambda g: (g, 0))
    wspec = pl.BlockSpec((3, 64), lambda g: (0, 0))
    bspec = pl.BlockSpec((1, 64), lambda g: (0, 0))
    zspec = pl.BlockSpec((GR, KNN, 64), lambda g: (g, 0, 0))
    sspec = pl.BlockSpec((1, 64), lambda g: (0, 0))
    z1, s1, q1 = pl.pallas_call(
        _mlp1_body,
        grid=grid,
        in_specs=[pspec] * 3 + [wspec, bspec],
        out_specs=[zspec, sspec, sspec],
        out_shape=[
            jax.ShapeDtypeStruct((B * M, KNN, 64), jnp.float32),
            jax.ShapeDtypeStruct((1, 64), jnp.float32),
            jax.ShapeDtypeStruct((1, 64), jnp.float32),
        ],
    )(px2, py2, pz2, W1, b1)
    return z1, s1, q1



G2 = 16
R2 = ROWS // G2

def _mlp2_body(z1_ref, s_ref, h_ref, w_ref, b_ref, z2_ref, s2_ref, q2_ref):
    a = jnp.maximum(z1_ref[...] * s_ref[...] + h_ref[...], 0.0)
    z2 = jnp.dot(a, w_ref[...], preferred_element_type=jnp.float32) + b_ref[...]
    z2_ref[...] = z2

    @pl.when(pl.program_id(0) == 0)
    def _():
        s2_ref[...] = jnp.zeros_like(s2_ref)
        q2_ref[...] = jnp.zeros_like(q2_ref)

    s2_ref[...] += jnp.sum(z2, axis=0)[None, :]
    q2_ref[...] += jnp.sum(z2 * z2, axis=0)[None, :]


def _run_mlp2(z1f, sc1, sh1, W2, b2):
    grid = (G2,)
    z2, s2, q2 = pl.pallas_call(
        _mlp2_body,
        grid=grid,
        in_specs=[
            pl.BlockSpec((R2, 64), lambda g: (g, 0)),
            pl.BlockSpec((1, 64), lambda g: (0, 0)),
            pl.BlockSpec((1, 64), lambda g: (0, 0)),
            pl.BlockSpec((64, 128), lambda g: (0, 0)),
            pl.BlockSpec((1, 128), lambda g: (0, 0)),
        ],
        out_specs=[
            pl.BlockSpec((R2, 128), lambda g: (g, 0)),
            pl.BlockSpec((1, 128), lambda g: (0, 0)),
            pl.BlockSpec((1, 128), lambda g: (0, 0)),
        ],
        out_shape=[
            jax.ShapeDtypeStruct((ROWS, 128), jnp.float32),
            jax.ShapeDtypeStruct((1, 128), jnp.float32),
            jax.ShapeDtypeStruct((1, 128), jnp.float32),
        ],
    )(z1f, sc1, sh1, W2, b2)
    return z2, s2, q2



def _mlp3_body(z2_ref, s_ref, h_ref, w_ref, b_ref, a2_ref, s3_ref, q3_ref):
    a2 = jnp.maximum(z2_ref[...] * s_ref[...] + h_ref[...], 0.0)
    a2_ref[...] = a2
    z3 = jnp.dot(a2, w_ref[...], preferred_element_type=jnp.float32) + b_ref[...]

    @pl.when(pl.program_id(0) == 0)
    def _():
        s3_ref[...] = jnp.zeros_like(s3_ref)
        q3_ref[...] = jnp.zeros_like(q3_ref)

    s3_ref[...] += jnp.sum(z3, axis=0)[None, :]
    q3_ref[...] += jnp.sum(z3 * z3, axis=0)[None, :]


def _run_mlp3(z2, sc2, sh2, W3, b3):
    grid = (G2,)
    a2, s3, q3 = pl.pallas_call(
        _mlp3_body,
        grid=grid,
        in_specs=[
            pl.BlockSpec((R2, 128), lambda g: (g, 0)),
            pl.BlockSpec((1, 128), lambda g: (0, 0)),
            pl.BlockSpec((1, 128), lambda g: (0, 0)),
            pl.BlockSpec((128, 384), lambda g: (0, 0)),
            pl.BlockSpec((1, 384), lambda g: (0, 0)),
        ],
        out_specs=[
            pl.BlockSpec((R2, 128), lambda g: (g, 0)),
            pl.BlockSpec((1, 384), lambda g: (0, 0)),
            pl.BlockSpec((1, 384), lambda g: (0, 0)),
        ],
        out_shape=[
            jax.ShapeDtypeStruct((ROWS, 128), jnp.float32),
            jax.ShapeDtypeStruct((1, 384), jnp.float32),
            jax.ShapeDtypeStruct((1, 384), jnp.float32),
        ],
    )(z2, sc2, sh2, W3, b3)
    return a2, s3, q3



def _mlp4_body(a2_ref, s_ref, h_ref, w_ref, b_ref, t_ref):
    a2 = a2_ref[...]
    z3 = jnp.dot(a2, w_ref[...], preferred_element_type=jnp.float32) + b_ref[...]
    y = jnp.maximum(z3 * s_ref[...] + h_ref[...], 0.0)
    y = y.reshape(R2 // KNN, KNN, 384)
    t_ref[...] = jnp.max(y, axis=1)


def _run_mlp4(a2, sc3, sh3, W3, b3):
    grid = (G2,)
    toks = pl.pallas_call(
        _mlp4_body,
        grid=grid,
        in_specs=[
            pl.BlockSpec((R2, 128), lambda g: (g, 0)),
            pl.BlockSpec((1, 384), lambda g: (0, 0)),
            pl.BlockSpec((1, 384), lambda g: (0, 0)),
            pl.BlockSpec((128, 384), lambda g: (0, 0)),
            pl.BlockSpec((1, 384), lambda g: (0, 0)),
        ],
        out_specs=pl.BlockSpec((R2 // KNN, 384), lambda g: (g, 0)),
        out_shape=jax.ShapeDtypeStruct((B * M, 384), jnp.float32),
    )(a2, sc3, sh3, W3, b3)
    return toks


def _bn_coeffs(s, q, g, be):
    mean = s / ROWS
    var = q / ROWS - mean * mean
    sc = g[None, :] / jnp.sqrt(var + 1e-5)
    sh = be[None, :] - mean * sc
    return sc, sh


def kernel(xyz, W1, b1, g1, be1, W2, b2, g2, be2, W3, b3, g3, be3):
    xt = jnp.transpose(xyz, (2, 0, 1))
    cx, cy, cz = _run_fps(xt)
    centers = jnp.stack([cx.T, cy.T, cz.T], axis=-1)
    cxt = jnp.stack([cx.T, cy.T, cz.T])[:, :, :, None]
    D = _run_dist(xt[:, :, None, :], cxt)
    px, py, pz = _run_knn_sc(D, xt[0], xt[1], xt[2],
                             cx.T, cy.T, cz.T)
    px2 = px.reshape(B * M, KNN)
    py2 = py.reshape(B * M, KNN)
    pz2 = pz.reshape(B * M, KNN)
    z1, s1, q1 = _run_mlp1(px2, py2, pz2, W1, b1[None, :])
    sc1, sh1 = _bn_coeffs(s1, q1, g1, be1)
    z1f = z1.reshape(ROWS, 64)
    z2, s2, q2 = _run_mlp2(z1f, sc1, sh1, W2, b2[None, :])
    sc2, sh2 = _bn_coeffs(s2, q2, g2, be2)
    a2, s3, q3 = _run_mlp3(z2, sc2, sh2, W3, b3[None, :])
    sc3, sh3 = _bn_coeffs(s3, q3, g3, be3)
    toks = _run_mlp4(a2, sc3, sh3, W3, b3[None, :])
    tokens = toks.reshape(B, M, 384)
    return (tokens, centers)

# --- scband reference (transcript-rebuilt; emitter-appended) ---
"""Pipeline reference for scband-point-tokenizer-16716012716431 (READ-ONLY COPY).

The authoritative reference and input builder live on the scoring server;
editing this copy changes nothing except your own understanding.
"""

import jax, jax.numpy as jnp
import numpy as np

N_CENTERS = 128
K = 32

def fps(xyz, n_centers):
    B, N, _ = xyz.shape
    def body(i, state):
        centroids, distances, farthest = state
        centroids = centroids.at[:, i].set(farthest)
        center = xyz[jnp.arange(B), farthest, :][:, None, :]
        dist = jnp.sum((xyz - center) ** 2, axis=-1)
        distances = jnp.minimum(distances, dist)
        farthest = jnp.argmax(distances, axis=-1).astype(jnp.int32)
        return (centroids, distances, farthest)
    centroids = jnp.zeros((B, n_centers), dtype=jnp.int32)
    distances = jnp.full((B, N), jnp.inf, dtype=jnp.float32)
    farthest = jnp.zeros((B,), dtype=jnp.int32)
    centroids, _, _ = jax.lax.fori_loop(0, n_centers, body, (centroids, distances, farthest))
    return centroids

def bn(x, gamma, beta):
    mean = jnp.mean(x, axis=0, keepdims=True)
    var = jnp.var(x, axis=0, keepdims=True)
    return gamma * (x - mean) / jnp.sqrt(var + 1e-5) + beta

def setup_inputs(seed: int = 0):
    key = jax.random.key(seed)
    ks = jax.random.split(key, 8)
    d = {}
    d['xyz'] = jax.random.normal(ks[0], (16, 4096, 3), dtype=jnp.float32)
    d['W1'] = jax.random.normal(ks[1], (3, 64), dtype=jnp.float32) * 0.3
    d['b1'] = jax.random.normal(ks[2], (64,), dtype=jnp.float32) * 0.05
    d['g1'] = jnp.ones((64,), dtype=jnp.float32)
    d['be1'] = jnp.zeros((64,), dtype=jnp.float32)
    d['W2'] = jax.random.normal(ks[3], (64, 128), dtype=jnp.float32) * 0.1
    d['b2'] = jax.random.normal(ks[4], (128,), dtype=jnp.float32) * 0.05
    d['g2'] = jnp.ones((128,), dtype=jnp.float32)
    d['be2'] = jnp.zeros((128,), dtype=jnp.float32)
    d['W3'] = jax.random.normal(ks[5], (128, 384), dtype=jnp.float32) * 0.08
    d['b3'] = jax.random.normal(ks[6], (384,), dtype=jnp.float32) * 0.05
    d['g3'] = jnp.ones((384,), dtype=jnp.float32)
    d['be3'] = jnp.zeros((384,), dtype=jnp.float32)
    return d

def reference(xyz, W1, b1, g1, be1, W2, b2, g2, be2, W3, b3, g3, be3):
    B, N, _ = xyz.shape
    M = N_CENTERS
    center_idx = fps(jax.lax.stop_gradient(xyz), N_CENTERS)
    centers = jnp.take_along_axis(xyz, jnp.broadcast_to(center_idx[..., None], (B, M, 3)), axis=1)
    dists = jnp.sum((centers[:, :, None, :] - xyz[:, None, :, :]) ** 2, axis=-1)
    neg_d, idx = jax.lax.top_k(-dists, K)
    xyz_e = jnp.broadcast_to(xyz[:, None, :, :], (B, M, N, 3))
    idx_e = jnp.broadcast_to(idx[..., None], (B, M, K, 3))
    patches = jnp.take_along_axis(xyz_e, idx_e, axis=2)
    patches = patches - centers[:, :, None, :]
    x = patches.reshape(B * M * K, 3)
    x = jax.nn.relu(bn(x @ W1 + b1, g1, be1))
    x = jax.nn.relu(bn(x @ W2 + b2, g2, be2))
    x = jax.nn.relu(bn(x @ W3 + b3, g3, be3))
    x = x.reshape(B * M, K, -1)
    tokens = jnp.max(x, axis=1).reshape(B, M, -1)
    return (tokens, centers)

if __name__ == "__main__":
    import jax
    _d = setup_inputs()
    print(jax.jit(kernel)(*tuple(_d.values())))

</pallas_src>

<mosaic_0001>
#map = affine_map<(d0, d1) -> (0, 0, 0)>
#map1 = affine_map<(d0, d1) -> (0, 0)>
module attributes {stable_mosaic.version = 14 : i64} {
  func.func @_knn_sc_body(%arg0: i32, %arg1: i32, %arg2: memref<16x128x4096xf32, #tpu.memory_space<hbm>>, %arg3: memref<16x4096xf32, #tpu.memory_space<hbm>>, %arg4: memref<16x4096xf32, #tpu.memory_space<hbm>>, %arg5: memref<16x4096xf32, #tpu.memory_space<hbm>>, %arg6: memref<16x128xf32, #tpu.memory_space<hbm>>, %arg7: memref<16x128xf32, #tpu.memory_space<hbm>>, %arg8: memref<16x128xf32, #tpu.memory_space<hbm>>, %arg9: memref<16x128x32xf32, #tpu.memory_space<hbm>>, %arg10: memref<16x128x32xf32, #tpu.memory_space<hbm>>, %arg11: memref<16x128x32xf32, #tpu.memory_space<hbm>>, %arg12: memref<8x4096xf32, #tpu.memory_space<vmem>>, %arg13: memref<4096xf32, #tpu.memory_space<vmem>>, %arg14: memref<4096xf32, #tpu.memory_space<vmem>>, %arg15: memref<4096xf32, #tpu.memory_space<vmem>>, %arg16: memref<64xf32, #tpu.memory_space<vmem>>, %arg17: memref<64xf32, #tpu.memory_space<vmem>>, %arg18: memref<64xf32, #tpu.memory_space<vmem>>, %arg19: memref<4096xi32, #tpu.memory_space<vmem>>, %arg20: memref<32xi32, #tpu.memory_space<vmem>>, %arg21: memref<16xf32, #tpu.memory_space<vmem>>, %arg22: memref<16xi32, #tpu.memory_space<vmem>>, %arg23: memref<64x32xf32, #tpu.memory_space<vmem>>, %arg24: memref<64x32xf32, #tpu.memory_space<vmem>>, %arg25: memref<64x32xf32, #tpu.memory_space<vmem>>) attributes {dimension_semantics = [#tpu.dimension_semantics<core_parallel>, #tpu.dimension_semantics<subcore_parallel>], iteration_bounds = array<i64: 2, 16>, scalar_prefetch = 0 : i64, scratch_operands = 14 : i64, tpu.core_type = #tpu.core_type<sc_vector_subcore>, window_params = [{transform_indices = #map}, {transform_indices = #map1}, {transform_indices = #map1}, {transform_indices = #map1}, {transform_indices = #map1}, {transform_indices = #map1}, {transform_indices = #map1}, {transform_indices = #map}, {transform_indices = #map}, {transform_indices = #map}]} {
    %mul3A = arith.constant 2 : i32
    %mul3A_0 = arith.muli %arg1, %mul3A : i32
    %add3A = arith.addi %mul3A_0, %arg0 : i32
    %jit3A = arith.constant 2 : i32
    %div3A = arith.divsi %add3A, %jit3A : i32
    %sign3A = arith.constant 0 : i32
    %sign3A_1 = arith.cmpi sgt, %add3A, %sign3A : i32
    %sign3A_2 = arith.extui %sign3A_1 : i1 to i32
    %sign3A_3 = arith.constant 0 : i32
    %sign3A_4 = arith.cmpi slt, %add3A, %sign3A_3 : i32
    %sign3A_5 = arith.extui %sign3A_4 : i1 to i32
    %sign3A_6 = arith.subi %sign3A_2, %sign3A_5 : i32
    %sign3A_7 = arith.constant 0 : i32
    %sign3A_8 = arith.cmpi sgt, %jit3A, %sign3A_7 : i32
    %sign3A_9 = arith.extui %sign3A_8 : i1 to i32
    %sign3A_10 = arith.constant 0 : i32
    %sign3A_11 = arith.cmpi slt, %jit3A, %sign3A_10 : i32
    %sign3A_12 = arith.extui %sign3A_11 : i1 to i32
    %sign3A_13 = arith.subi %sign3A_9, %sign3A_12 : i32
    %ne3A = arith.cmpi ne, %sign3A_6, %sign3A_13 : i32
    %rem3A = arith.remsi %add3A, %jit3A : i32
    %ne3A_14 = arith.constant 0 : i32
    %ne3A_15 = arith.cmpi ne, %rem3A, %ne3A_14 : i32
    %and3A = arith.andi %ne3A, %ne3A_15 : i1
    %sub3A = arith.constant 1 : i32
    %sub3A_16 = arith.subi %div3A, %sub3A : i32
    %select_n3A = arith.select %and3A, %sub3A_16, %div3A : i32
    %jit3A_17 = arith.constant 2 : i32
    %eq3A = arith.constant 0 : i32
    %eq3A_18 = arith.cmpi eq, %jit3A_17, %eq3A : i32
    %jit3A_19 = arith.constant 1 : i32
    %select_n3A_20 = arith.select %eq3A_18, %jit3A_19, %jit3A_17 : i32
    %rem3A_21 = arith.remsi %add3A, %select_n3A_20 : i32
    %ne3A_22 = arith.constant 0 : i32
    %ne3A_23 = arith.cmpi ne, %rem3A_21, %ne3A_22 : i32
    %lt3A = arith.constant 0 : i32
    %lt3A_24 = arith.cmpi slt, %rem3A_21, %lt3A : i32
    %lt3A_25 = arith.constant 0 : i32
    %lt3A_26 = arith.cmpi slt, %select_n3A_20, %lt3A_25 : i32
    %ne3A_27 = arith.xori %lt3A_24, %lt3A_26 : i1
    %and3A_28 = arith.andi %ne3A_27, %ne3A_23 : i1
    %add3A_29 = arith.addi %rem3A_21, %select_n3A_20 : i32
    %select_n3A_30 = arith.select %and3A_28, %add3A_29, %rem3A_21 : i32
    %mul3A_31 = arith.constant 64 : i32
    %mul3A_32 = arith.muli %select_n3A_30, %mul3A_31 : i32
    %iota3A = tpu.iota {dimensions = array<i32: 0>} : vector<16xi32>
    %broadcast_in_dim3A = arith.constant 1 : i32
    %broadcast_in_dim3A_33 = vector.broadcast %broadcast_in_dim3A : i32 to vector<16xi32>
    %broadcast_in_dim3A_34 = arith.constant 0 : i32
    %broadcast_in_dim3A_35 = vector.broadcast %broadcast_in_dim3A_34 : i32 to vector<16xi32>
    %broadcast_in_dim3A_36 = arith.constant 0x7F800000 : f32
    %broadcast_in_dim3A_37 = vector.broadcast %broadcast_in_dim3A_36 : f32 to vector<16xf32>
    "tpu.region"() ({
      %run_scoped3A = tpu.sem_alloc : memref<!tpu.dma_semaphore, #tpu.memory_space<semaphore_mem>>
      %dma_start3A = arith.constant 0 : i32
      %dma_start3A_44 = tpu.memref_slice %arg3[%select_n3A, %dma_start3A] : memref<16x4096xf32, #tpu.memory_space<hbm>> -> memref<1x4096xf32, #tpu.memory_space<hbm>>
      %dma_start3A_45 = tpu.memref_squeeze %dma_start3A_44 : memref<1x4096xf32, #tpu.memory_space<hbm>> -> memref<4096xf32, #tpu.memory_space<hbm>>
      %dma_start3A_46 = arith.constant 0 : i32
      %dma_start3A_47 = tpu.memref_slice %arg3[%select_n3A, %dma_start3A_46] : memref<16x4096xf32, #tpu.memory_space<hbm>> -> memref<1x4096xf32, #tpu.memory_space<hbm>>
      %dma_start3A_48 = tpu.memref_squeeze %dma_start3A_47 : memref<1x4096xf32, #tpu.memory_space<hbm>> -> memref<4096xf32, #tpu.memory_space<hbm>>
      tpu.enqueue_dma source(%dma_start3A_48 : memref<4096xf32, #tpu.memory_space<hbm>>) target(%arg13 : memref<4096xf32, #tpu.memory_space<vmem>>) target_semaphore(%run_scoped3A : memref<!tpu.dma_semaphore, #tpu.memory_space<semaphore_mem>>)
      %dma_wait3A = arith.constant 0 : i32
      %dma_wait3A_49 = tpu.memref_slice %arg3[%select_n3A, %dma_wait3A] : memref<16x4096xf32, #tpu.memory_space<hbm>> -> memref<1x4096xf32, #tpu.memory_space<hbm>>
      %dma_wait3A_50 = tpu.memref_squeeze %dma_wait3A_49 : memref<1x4096xf32, #tpu.memory_space<hbm>> -> memref<4096xf32, #tpu.memory_space<hbm>>
      %dma_wait3A_51 = arith.constant 0 : i32
      %dma_wait3A_52 = tpu.memref_slice %arg3[%select_n3A, %dma_wait3A_51] : memref<16x4096xf32, #tpu.memory_space<hbm>> -> memref<1x4096xf32, #tpu.memory_space<hbm>>
      %dma_wait3A_53 = tpu.memref_squeeze %dma_wait3A_52 : memref<1x4096xf32, #tpu.memory_space<hbm>> -> memref<4096xf32, #tpu.memory_space<hbm>>
      tpu.wait_dma2 semaphore(%run_scoped3A : memref<!tpu.dma_semaphore, #tpu.memory_space<semaphore_mem>>) src(%dma_wait3A_53 : memref<4096xf32, #tpu.memory_space<hbm>>) dst(%arg13 : memref<4096xf32, #tpu.memory_space<vmem>>)
      tpu.yield
    }) : () -> ()
    "tpu.region"() ({
      %run_scoped3A = tpu.sem_alloc : memref<!tpu.dma_semaphore, #tpu.memory_space<semaphore_mem>>
      %dma_start3A = arith.constant 0 : i32
      %dma_start3A_44 = tpu.memref_slice %arg4[%select_n3A, %dma_start3A] : memref<16x4096xf32, #tpu.memory_space<hbm>> -> memref<1x4096xf32, #tpu.memory_space<hbm>>
      %dma_start3A_45 = tpu.memref_squeeze %dma_start3A_44 : memref<1x4096xf32, #tpu.memory_space<hbm>> -> memref<4096xf32, #tpu.memory_space<hbm>>
      %dma_start3A_46 = arith.constant 0 : i32
      %dma_start3A_47 = tpu.memref_slice %arg4[%select_n3A, %dma_start3A_46] : memref<16x4096xf32, #tpu.memory_space<hbm>> -> memref<1x4096xf32, #tpu.memory_space<hbm>>
      %dma_start3A_48 = tpu.memref_squeeze %dma_start3A_47 : memref<1x4096xf32, #tpu.memory_space<hbm>> -> memref<4096xf32, #tpu.memory_space<hbm>>
      tpu.enqueue_dma source(%dma_start3A_48 : memref<4096xf32, #tpu.memory_space<hbm>>) target(%arg14 : memref<4096xf32, #tpu.memory_space<vmem>>) target_semaphore(%run_scoped3A : memref<!tpu.dma_semaphore, #tpu.memory_space<semaphore_mem>>)
      %dma_wait3A = arith.constant 0 : i32
      %dma_wait3A_49 = tpu.memref_slice %arg4[%select_n3A, %dma_wait3A] : memref<16x4096xf32, #tpu.memory_space<hbm>> -> memref<1x4096xf32, #tpu.memory_space<hbm>>
      %dma_wait3A_50 = tpu.memref_squeeze %dma_wait3A_49 : memref<1x4096xf32, #tpu.memory_space<hbm>> -> memref<4096xf32, #tpu.memory_space<hbm>>
      %dma_wait3A_51 = arith.constant 0 : i32
      %dma_wait3A_52 = tpu.memref_slice %arg4[%select_n3A, %dma_wait3A_51] : memref<16x4096xf32, #tpu.memory_space<hbm>> -> memref<1x4096xf32, #tpu.memory_space<hbm>>
      %dma_wait3A_53 = tpu.memref_squeeze %dma_wait3A_52 : memref<1x4096xf32, #tpu.memory_space<hbm>> -> memref<4096xf32, #tpu.memory_space<hbm>>
      tpu.wait_dma2 semaphore(%run_scoped3A : memref<!tpu.dma_semaphore, #tpu.memory_space<semaphore_mem>>) src(%dma_wait3A_53 : memref<4096xf32, #tpu.memory_space<hbm>>) dst(%arg14 : memref<4096xf32, #tpu.memory_space<vmem>>)
      tpu.yield
    }) : () -> ()
    "tpu.region"() ({
      %run_scoped3A = tpu.sem_alloc : memref<!tpu.dma_semaphore, #tpu.memory_space<semaphore_mem>>
      %dma_start3A = arith.constant 0 : i32
      %dma_start3A_44 = tpu.memref_slice %arg5[%select_n3A, %dma_start3A] : memref<16x4096xf32, #tpu.memory_space<hbm>> -> memref<1x4096xf32, #tpu.memory_space<hbm>>
      %dma_start3A_45 = tpu.memref_squeeze %dma_start3A_44 : memref<1x4096xf32, #tpu.memory_space<hbm>> -> memref<4096xf32, #tpu.memory_space<hbm>>
      %dma_start3A_46 = arith.constant 0 : i32
      %dma_start3A_47 = tpu.memref_slice %arg5[%select_n3A, %dma_start3A_46] : memref<16x4096xf32, #tpu.memory_space<hbm>> -> memref<1x4096xf32, #tpu.memory_space<hbm>>
      %dma_start3A_48 = tpu.memref_squeeze %dma_start3A_47 : memref<1x4096xf32, #tpu.memory_space<hbm>> -> memref<4096xf32, #tpu.memory_space<hbm>>
      tpu.enqueue_dma source(%dma_start3A_48 : memref<4096xf32, #tpu.memory_space<hbm>>) target(%arg15 : memref<4096xf32, #tpu.memory_space<vmem>>) target_semaphore(%run_scoped3A : memref<!tpu.dma_semaphore, #tpu.memory_space<semaphore_mem>>)
      %dma_wait3A = arith.constant 0 : i32
      %dma_wait3A_49 = tpu.memref_slice %arg5[%select_n3A, %dma_wait3A] : memref<16x4096xf32, #tpu.memory_space<hbm>> -> memref<1x4096xf32, #tpu.memory_space<hbm>>
      %dma_wait3A_50 = tpu.memref_squeeze %dma_wait3A_49 : memref<1x4096xf32, #tpu.memory_space<hbm>> -> memref<4096xf32, #tpu.memory_space<hbm>>
      %dma_wait3A_51 = arith.constant 0 : i32
      %dma_wait3A_52 = tpu.memref_slice %arg5[%select_n3A, %dma_wait3A_51] : memref<16x4096xf32, #tpu.memory_space<hbm>> -> memref<1x4096xf32, #tpu.memory_space<hbm>>
      %dma_wait3A_53 = tpu.memref_squeeze %dma_wait3A_52 : memref<1x4096xf32, #tpu.memory_space<hbm>> -> memref<4096xf32, #tpu.memory_space<hbm>>
      tpu.wait_dma2 semaphore(%run_scoped3A : memref<!tpu.dma_semaphore, #tpu.memory_space<semaphore_mem>>) src(%dma_wait3A_53 : memref<4096xf32, #tpu.memory_space<hbm>>) dst(%arg15 : memref<4096xf32, #tpu.memory_space<vmem>>)
      tpu.yield
    }) : () -> ()
    "tpu.region"() ({
      %run_scoped3A = tpu.sem_alloc : memref<!tpu.dma_semaphore, #tpu.memory_space<semaphore_mem>>
      %dma_start3A = tpu.memref_slice %arg6[%select_n3A, %mul3A_32] : memref<16x128xf32, #tpu.memory_space<hbm>> -> memref<1x64xf32, #tpu.memory_space<hbm>>
      %dma_start3A_44 = tpu.memref_squeeze %dma_start3A : memref<1x64xf32, #tpu.memory_space<hbm>> -> memref<64xf32, #tpu.memory_space<hbm>>
      %dma_start3A_45 = tpu.memref_slice %arg6[%select_n3A, %mul3A_32] : memref<16x128xf32, #tpu.memory_space<hbm>> -> memref<1x64xf32, #tpu.memory_space<hbm>>
      %dma_start3A_46 = tpu.memref_squeeze %dma_start3A_45 : memref<1x64xf32, #tpu.memory_space<hbm>> -> memref<64xf32, #tpu.memory_space<hbm>>
      tpu.enqueue_dma source(%dma_start3A_46 : memref<64xf32, #tpu.memory_space<hbm>>) target(%arg16 : memref<64xf32, #tpu.memory_space<vmem>>) target_semaphore(%run_scoped3A : memref<!tpu.dma_semaphore, #tpu.memory_space<semaphore_mem>>)
      %dma_wait3A = tpu.memref_slice %arg6[%select_n3A, %mul3A_32] : memref<16x128xf32, #tpu.memory_space<hbm>> -> memref<1x64xf32, #tpu.memory_space<hbm>>
      %dma_wait3A_47 = tpu.memref_squeeze %dma_wait3A : memref<1x64xf32, #tpu.memory_space<hbm>> -> memref<64xf32, #tpu.memory_space<hbm>>
      %dma_wait3A_48 = tpu.memref_slice %arg6[%select_n3A, %mul3A_32] : memref<16x128xf32, #tpu.memory_space<hbm>> -> memref<1x64xf32, #tpu.memory_space<hbm>>
      %dma_wait3A_49 = tpu.memref_squeeze %dma_wait3A_48 : memref<1x64xf32, #tpu.memory_space<hbm>> -> memref<64xf32, #tpu.memory_space<hbm>>
      tpu.wait_dma2 semaphore(%run_scoped3A : memref<!tpu.dma_semaphore, #tpu.memory_space<semaphore_mem>>) src(%dma_wait3A_49 : memref<64xf32, #tpu.memory_space<hbm>>) dst(%arg16 : memref<64xf32, #tpu.memory_space<vmem>>)
      tpu.yield
    }) : () -> ()
    "tpu.region"() ({
      %run_scoped3A = tpu.sem_alloc : memref<!tpu.dma_semaphore, #tpu.memory_space<semaphore_mem>>
      %dma_start3A = tpu.memref_slice %arg7[%select_n3A, %mul3A_32] : memref<16x128xf32, #tpu.memory_space<hbm>> -> memref<1x64xf32, #tpu.memory_space<hbm>>
      %dma_start3A_44 = tpu.memref_squeeze %dma_start3A : memref<1x64xf32, #tpu.memory_space<hbm>> -> memref<64xf32, #tpu.memory_space<hbm>>
      %dma_start3A_45 = tpu.memref_slice %arg7[%select_n3A, %mul3A_32] : memref<16x128xf32, #tpu.memory_space<hbm>> -> memref<1x64xf32, #tpu.memory_space<hbm>>
      %dma_start3A_46 = tpu.memref_squeeze %dma_start3A_45 : memref<1x64xf32, #tpu.memory_space<hbm>> -> memref<64xf32, #tpu.memory_space<hbm>>
      tpu.enqueue_dma source(%dma_start3A_46 : memref<64xf32, #tpu.memory_space<hbm>>) target(%arg17 : memref<64xf32, #tpu.memory_space<vmem>>) target_semaphore(%run_scoped3A : memref<!tpu.dma_semaphore, #tpu.memory_space<semaphore_mem>>)
      %dma_wait3A = tpu.memref_slice %arg7[%select_n3A, %mul3A_32] : memref<16x128xf32, #tpu.memory_space<hbm>> -> memref<1x64xf32, #tpu.memory_space<hbm>>
      %dma_wait3A_47 = tpu.memref_squeeze %dma_wait3A : memref<1x64xf32, #tpu.memory_space<hbm>> -> memref<64xf32, #tpu.memory_space<hbm>>
      %dma_wait3A_48 = tpu.memref_slice %arg7[%select_n3A, %mul3A_32] : memref<16x128xf32, #tpu.memory_space<hbm>> -> memref<1x64xf32, #tpu.memory_space<hbm>>
      %dma_wait3A_49 = tpu.memref_squeeze %dma_wait3A_48 : memref<1x64xf32, #tpu.memory_space<hbm>> -> memref<64xf32, #tpu.memory_space<hbm>>
      tpu.wait_dma2 semaphore(%run_scoped3A : memref<!tpu.dma_semaphore, #tpu.memory_space<semaphore_mem>>) src(%dma_wait3A_49 : memref<64xf32, #tpu.memory_space<hbm>>) dst(%arg17 : memref<64xf32, #tpu.memory_space<vmem>>)
      tpu.yield
    }) : () -> ()
    "tpu.region"() ({
      %run_scoped3A = tpu.sem_alloc : memref<!tpu.dma_semaphore, #tpu.memory_space<semaphore_mem>>
      %dma_start3A = tpu.memref_slice %arg8[%select_n3A, %mul3A_32] : memref<16x128xf32, #tpu.memory_space<hbm>> -> memref<1x64xf32, #tpu.memory_space<hbm>>
      %dma_start3A_44 = tpu.memref_squeeze %dma_start3A : memref<1x64xf32, #tpu.memory_space<hbm>> -> memref<64xf32, #tpu.memory_space<hbm>>
      %dma_start3A_45 = tpu.memref_slice %arg8[%select_n3A, %mul3A_32] : memref<16x128xf32, #tpu.memory_space<hbm>> -> memref<1x64xf32, #tpu.memory_space<hbm>>
      %dma_start3A_46 = tpu.memref_squeeze %dma_start3A_45 : memref<1x64xf32, #tpu.memory_space<hbm>> -> memref<64xf32, #tpu.memory_space<hbm>>
      tpu.enqueue_dma source(%dma_start3A_46 : memref<64xf32, #tpu.memory_space<hbm>>) target(%arg18 : memref<64xf32, #tpu.memory_space<vmem>>) target_semaphore(%run_scoped3A : memref<!tpu.dma_semaphore, #tpu.memory_space<semaphore_mem>>)
      %dma_wait3A = tpu.memref_slice %arg8[%select_n3A, %mul3A_32] : memref<16x128xf32, #tpu.memory_space<hbm>> -> memref<1x64xf32, #tpu.memory_space<hbm>>
      %dma_wait3A_47 = tpu.memref_squeeze %dma_wait3A : memref<1x64xf32, #tpu.memory_space<hbm>> -> memref<64xf32, #tpu.memory_space<hbm>>
      %dma_wait3A_48 = tpu.memref_slice %arg8[%select_n3A, %mul3A_32] : memref<16x128xf32, #tpu.memory_space<hbm>> -> memref<1x64xf32, #tpu.memory_space<hbm>>
      %dma_wait3A_49 = tpu.memref_squeeze %dma_wait3A_48 : memref<1x64xf32, #tpu.memory_space<hbm>> -> memref<64xf32, #tpu.memory_space<hbm>>
      tpu.wait_dma2 semaphore(%run_scoped3A : memref<!tpu.dma_semaphore, #tpu.memory_space<semaphore_mem>>) src(%dma_wait3A_49 : memref<64xf32, #tpu.memory_space<hbm>>) dst(%arg18 : memref<64xf32, #tpu.memory_space<vmem>>)
      tpu.yield
    }) : () -> ()
    %scan3A = arith.constant 0 : i32
    %scan3A_38 = arith.constant 0 : i32
    %scan3A_39 = arith.constant 8 : i32
    %scan3A_40 = arith.addi %scan3A_38, %scan3A_39 : i32
    %scan3A_41 = arith.constant 1 : i32
    %scan3A_42 = scf.for %scan3A_44 = %scan3A_38 to %scan3A_40 step %scan3A_41 iter_args(%scan3A_45 = %scan3A) -> (i32)  : i32 {
      %mul3A_46 = arith.constant 8 : i32
      %mul3A_47 = arith.muli %scan3A_44, %mul3A_46 : i32
      %add3A_48 = arith.addi %mul3A_32, %mul3A_47 : i32
      "tpu.region"() ({
        %run_scoped3A = tpu.sem_alloc : memref<!tpu.dma_semaphore, #tpu.memory_space<semaphore_mem>>
        %dma_start3A = arith.constant 0 : i32
        %dma_start3A_57 = tpu.memref_slice %arg2[%select_n3A, %add3A_48, %dma_start3A] : memref<16x128x4096xf32, #tpu.memory_space<hbm>> -> memref<1x8x4096xf32, #tpu.memory_space<hbm>>
        %dma_start3A_58 = tpu.memref_squeeze %dma_start3A_57 : memref<1x8x4096xf32, #tpu.memory_space<hbm>> -> memref<8x4096xf32, #tpu.memory_space<hbm>>
        %dma_start3A_59 = arith.constant 0 : i32
        %dma_start3A_60 = tpu.memref_slice %arg2[%select_n3A, %add3A_48, %dma_start3A_59] : memref<16x128x4096xf32, #tpu.memory_space<hbm>> -> memref<1x8x4096xf32, #tpu.memory_space<hbm>>
        %dma_start3A_61 = tpu.memref_squeeze %dma_start3A_60 : memref<1x8x4096xf32, #tpu.memory_space<hbm>> -> memref<8x4096xf32, #tpu.memory_space<hbm>>
        tpu.enqueue_dma source(%dma_start3A_61 : memref<8x4096xf32, #tpu.memory_space<hbm>>) target(%arg12 : memref<8x4096xf32, #tpu.memory_space<vmem>>) target_semaphore(%run_scoped3A : memref<!tpu.dma_semaphore, #tpu.memory_space<semaphore_mem>>)
        %dma_wait3A = arith.constant 0 : i32
        %dma_wait3A_62 = tpu.memref_slice %arg2[%select_n3A, %add3A_48, %dma_wait3A] : memref<16x128x4096xf32, #tpu.memory_space<hbm>> -> memref<1x8x4096xf32, #tpu.memory_space<hbm>>
        %dma_wait3A_63 = tpu.memref_squeeze %dma_wait3A_62 : memref<1x8x4096xf32, #tpu.memory_space<hbm>> -> memref<8x4096xf32, #tpu.memory_space<hbm>>
        %dma_wait3A_64 = arith.constant 0 : i32
        %dma_wait3A_65 = tpu.memref_slice %arg2[%select_n3A, %add3A_48, %dma_wait3A_64] : memref<16x128x4096xf32, #tpu.memory_space<hbm>> -> memref<1x8x4096xf32, #tpu.memory_space<hbm>>
        %dma_wait3A_66 = tpu.memref_squeeze %dma_wait3A_65 : memref<1x8x4096xf32, #tpu.memory_space<hbm>> -> memref<8x4096xf32, #tpu.memory_space<hbm>>
        tpu.wait_dma2 semaphore(%run_scoped3A : memref<!tpu.dma_semaphore, #tpu.memory_space<semaphore_mem>>) src(%dma_wait3A_66 : memref<8x4096xf32, #tpu.memory_space<hbm>>) dst(%arg12 : memref<8x4096xf32, #tpu.memory_space<vmem>>)
        tpu.yield
      }) : () -> ()
      %scan3A_49 = arith.constant 0 : i32
      %scan3A_50 = arith.constant 0 : i32
      %scan3A_51 = arith.constant 8 : i32
      %scan3A_52 = arith.addi %scan3A_50, %scan3A_51 : i32
      %scan3A_53 = arith.constant 1 : i32
      %scan3A_54 = scf.for %scan3A_57 = %scan3A_50 to %scan3A_52 step %scan3A_53 iter_args(%scan3A_58 = %scan3A_49) -> (i32)  : i32 {
        %mul3A_59 = arith.constant 8 : i32
        %mul3A_60 = arith.muli %scan3A_44, %mul3A_59 : i32
        %add3A_61 = arith.addi %mul3A_60, %scan3A_57 : i32
        %parallel_loop3A = arith.constant 0 : i32
        %parallel_loop3A_62 = arith.constant 128 : i32
        %parallel_loop3A_63 = arith.constant 1 : i32
        %parallel_loop3A_64:2 = scf.for %parallel_loop3A_143 = %parallel_loop3A to %parallel_loop3A_62 step %parallel_loop3A_63 iter_args(%parallel_loop3A_144 = %broadcast_in_dim3A_37, %parallel_loop3A_145 = %broadcast_in_dim3A_37) -> (vector<16xf32>, vector<16xf32>)  : i32 {
          %parallel_loop3A_146 = arith.constant 16 : i32
          %parallel_loop3A_147 = arith.muli %parallel_loop3A_143, %parallel_loop3A_146 : i32
          %parallel_loop3A_148 = tpu.assume_multiple %parallel_loop3A_147, 16 : i32
          %parallel_loop3A_149 = arith.index_cast %scan3A_57 : i32 to index
          %parallel_loop3A_150 = arith.index_cast %parallel_loop3A_148 : i32 to index
          %parallel_loop3A_151 = tpu.vector_load %arg12[%parallel_loop3A_149, %parallel_loop3A_150] {strides = array<i32>} : memref<8x4096xf32, #tpu.memory_space<vmem>>, vector<16xf32>,
          %parallel_loop3A_152 = arith.constant 128 : i32
          %parallel_loop3A_153 = arith.addi %parallel_loop3A_143, %parallel_loop3A_152 : i32
          %parallel_loop3A_154 = arith.constant 16 : i32
          %parallel_loop3A_155 = arith.muli %parallel_loop3A_153, %parallel_loop3A_154 : i32
          %parallel_loop3A_156 = tpu.assume_multiple %parallel_loop3A_155, 16 : i32
          %parallel_loop3A_157 = arith.index_cast %scan3A_57 : i32 to index
          %parallel_loop3A_158 = arith.index_cast %parallel_loop3A_156 : i32 to index
          %parallel_loop3A_159 = tpu.vector_load %arg12[%parallel_loop3A_157, %parallel_loop3A_158] {strides = array<i32>} : memref<8x4096xf32, #tpu.memory_space<vmem>>, vector<16xf32>,
          %parallel_loop3A_160 = arith.minimumf %parallel_loop3A_144, %parallel_loop3A_151 : vector<16xf32>
          %parallel_loop3A_161 = arith.minimumf %parallel_loop3A_145, %parallel_loop3A_159 : vector<16xf32>
          scf.yield %parallel_loop3A_160, %parallel_loop3A_161 : vector<16xf32>, vector<16xf32>
        } {sc.loop_unroll_factor = 4 : i64, sc.parallel_access}
        %min3A = arith.minimumf %parallel_loop3A_64#0, %parallel_loop3A_64#1 : vector<16xf32>
        %reduce_min3A = arith.constant true
        %reduce_min3A_65 = vector.broadcast %reduce_min3A : i1 to vector<16xi1>
        %reduce_min3A_66 = tpu.scan <min>, %min3A masked %reduce_min3A_65 : vector<16xf32>, vector<16xi1> -> vector<16xf32>
        %reduce_min3A_67 = vector.extract %reduce_min3A_66[15] : f32 from vector<16xf32>
        %reduce_max3A = arith.constant true
        %reduce_max3A_68 = vector.broadcast %reduce_max3A : i1 to vector<16xi1>
        %reduce_max3A_69 = tpu.scan <max>, %parallel_loop3A_64#0 masked %reduce_max3A_68 : vector<16xf32>, vector<16xi1> -> vector<16xf32>
        %reduce_max3A_70 = vector.extract %reduce_max3A_69[15] : f32 from vector<16xf32>
        %reduce_max3A_71 = arith.constant true
        %reduce_max3A_72 = vector.broadcast %reduce_max3A_71 : i1 to vector<16xi1>
        %reduce_max3A_73 = tpu.scan <max>, %parallel_loop3A_64#1 masked %reduce_max3A_72 : vector<16xf32>, vector<16xi1> -> vector<16xf32>
        %reduce_max3A_74 = vector.extract %reduce_max3A_73[15] : f32 from vector<16xf32>
        %max3A = arith.maximumf %reduce_max3A_70, %reduce_max3A_74 : f32
        %sub3A_75 = arith.subf %max3A, %reduce_min3A_67 : f32
        %max3A_76 = arith.constant 1.000000e-30 : f32
        %max3A_77 = arith.maximumf %sub3A_75, %max3A_76 : f32
        %broadcast_in_dim3A_78 = arith.constant 4.094000e+03 : f32
        %broadcast_in_dim3A_79 = vector.broadcast %broadcast_in_dim3A_78 : f32 to vector<16xf32>
        %broadcast_in_dim3A_80 = vector.broadcast %max3A_77 : f32 to vector<16xf32>
        %div3A_81 = arith.divf %broadcast_in_dim3A_79, %broadcast_in_dim3A_80 : vector<16xf32>
        %parallel_loop3A_82 = arith.constant 0 : i32
        %parallel_loop3A_83 = arith.constant 256 : i32
        %parallel_loop3A_84 = arith.constant 1 : i32
        scf.for %parallel_loop3A_143 = %parallel_loop3A_82 to %parallel_loop3A_83 step %parallel_loop3A_84  : i32 {
          %parallel_loop3A_144 = arith.constant 16 : i32
          %parallel_loop3A_145 = arith.muli %parallel_loop3A_143, %parallel_loop3A_144 : i32
          %parallel_loop3A_146 = tpu.assume_multiple %parallel_loop3A_145, 16 : i32
          %parallel_loop3A_147 = arith.index_cast %parallel_loop3A_146 : i32 to index
          %parallel_loop3A_148 = tpu.vector_load %arg19[%parallel_loop3A_147] {strides = array<i32>} : memref<4096xi32, #tpu.memory_space<vmem>>, vector<16xi32>,
          tpu.vector_store %arg19[%parallel_loop3A_147], %broadcast_in_dim3A_35 {strides = array<i32>} : memref<4096xi32, #tpu.memory_space<vmem>>, vector<16xi32>,
        } {sc.loop_unroll_factor = 8 : i64, sc.parallel_access}
        %parallel_loop3A_85 = arith.constant 0 : i32
        %parallel_loop3A_86 = arith.constant 256 : i32
        %parallel_loop3A_87 = arith.constant 1 : i32
        scf.for %parallel_loop3A_143 = %parallel_loop3A_85 to %parallel_loop3A_86 step %parallel_loop3A_87  : i32 {
          %parallel_loop3A_144 = arith.constant 16 : i32
          %parallel_loop3A_145 = arith.muli %parallel_loop3A_143, %parallel_loop3A_144 : i32
          %parallel_loop3A_146 = tpu.assume_multiple %parallel_loop3A_145, 16 : i32
          %parallel_loop3A_147 = arith.index_cast %scan3A_57 : i32 to index
          %parallel_loop3A_148 = arith.index_cast %parallel_loop3A_146 : i32 to index
          %parallel_loop3A_149 = tpu.vector_load %arg12[%parallel_loop3A_147, %parallel_loop3A_148] {strides = array<i32>} : memref<8x4096xf32, #tpu.memory_space<vmem>>, vector<16xf32>,
          %parallel_loop3A_150 = vector.broadcast %reduce_min3A_67 : f32 to vector<16xf32>
          %parallel_loop3A_151 = arith.subf %parallel_loop3A_149, %parallel_loop3A_150 : vector<16xf32>
          %parallel_loop3A_152 = arith.mulf %parallel_loop3A_151, %div3A_81 : vector<16xf32>
          %parallel_loop3A_153 = arith.constant 4.095000e+03 : f32
          %parallel_loop3A_154 = vector.broadcast %parallel_loop3A_153 : f32 to vector<16xf32>
          %parallel_loop3A_155 = arith.minimumf %parallel_loop3A_152, %parallel_loop3A_154 : vector<16xf32>
          %parallel_loop3A_156 = arith.fptosi %parallel_loop3A_155 : vector<16xf32> to vector<16xi32>
          tpu.vector_store_idx %arg19[%parallel_loop3A_156], %broadcast_in_dim3A_33 {add = true} : memref<4096xi32, #tpu.memory_space<vmem>>[vector<16xi32>], vector<16xi32>,
        } {sc.loop_unroll_factor = 4 : i64, sc.parallel_access}
        %while3A = arith.constant 0 : i32
        %while3A_88 = arith.constant 0 : i32
        %while3A_89 = arith.constant 0 : i32
        %while3A_90 = arith.constant 0 : i32
        %while3A_91 = arith.constant 0 : i32
        %while3A_92:5 = scf.while (%while3A_143 = %while3A, %while3A_144 = %while3A_88, %while3A_145 = %while3A_89, %while3A_146 = %while3A_90, %while3A_147 = %while3A_91) : (i32, i32, i32, i32, i32) -> (i32, i32, i32, i32, i32) {
          %eq3A_148 = arith.constant 0 : i32
          %eq3A_149 = arith.cmpi eq, %while3A_145, %eq3A_148 : i32
          %lt3A_150 = arith.constant 256 : i32
          %lt3A_151 = arith.cmpi slt, %while3A_143, %lt3A_150 : i32
          %and3A_152 = arith.andi %eq3A_149, %lt3A_151 : i1
          scf.condition(%and3A_152) %while3A_143, %while3A_144, %while3A_145, %while3A_146, %while3A_147 : i32, i32, i32, i32, i32
        } do {
        ^bb0(%while3A_143: i32, %while3A_144: i32, %while3A_145: i32, %while3A_146: i32, %while3A_147: i32):
          %mul3A_148 = arith.constant 16 : i32
          %mul3A_149 = arith.muli %while3A_143, %mul3A_148 : i32
          %multiple_of3A = tpu.assume_multiple %mul3A_149, 16 : i32
          %get3A_150 = arith.index_cast %multiple_of3A : i32 to index
          %get3A_151 = tpu.vector_load %arg19[%get3A_150] {strides = array<i32>} : memref<4096xi32, #tpu.memory_space<vmem>>, vector<16xi32>,
          %broadcast_in_dim3A_152 = arith.constant true
          %broadcast_in_dim3A_153 = vector.broadcast %broadcast_in_dim3A_152 : i1 to vector<16xi1>
          %masked_cumsum3A = tpu.scan <sum>, %get3A_151 masked %broadcast_in_dim3A_153 : vector<16xi32>, vector<16xi1> -> vector<16xi32>
          %add3A_154 = vector.broadcast %while3A_144 : i32 to vector<16xi32>
          %add3A_155 = arith.addi %masked_cumsum3A, %add3A_154 : vector<16xi32>
          %ge3A = arith.constant 32 : i32
          %ge3A_156 = vector.broadcast %ge3A : i32 to vector<16xi32>
          %ge3A_157 = arith.cmpi sge, %add3A_155, %ge3A_156 : vector<16xi32>
          %reduce_or3A = arith.constant 1.000000e+00 : f32
          %reduce_or3A_158 = arith.constant 0.000000e+00 : f32
          %reduce_or3A_159 = vector.broadcast %reduce_or3A : f32 to vector<16xf32>
          %reduce_or3A_160 = vector.broadcast %reduce_or3A_158 : f32 to vector<16xf32>
          %reduce_or3A_161 = arith.select %ge3A_157, %reduce_or3A_159, %reduce_or3A_160 : vector<16xi1>, vector<16xf32>
          %reduce_or3A_162 = arith.constant true
          %reduce_or3A_163 = vector.broadcast %reduce_or3A_162 : i1 to vector<16xi1>
          %reduce_or3A_164 = tpu.scan <max>, %reduce_or3A_161 masked %reduce_or3A_163 : vector<16xf32>, vector<16xi1> -> vector<16xf32>
          %reduce_or3A_165 = vector.extract %reduce_or3A_164[15] : f32 from vector<16xf32>
          %reduce_or3A_166 = arith.constant 0.000000e+00 : f32
          %reduce_or3A_167 = arith.cmpf ogt, %reduce_or3A_165, %reduce_or3A_166 : f32
          %jit3A_168 = arith.constant 16 : i32
          %broadcast_in_dim3A_169 = vector.broadcast %jit3A_168 : i32 to vector<16xi32>
          %select_n3A_170 = arith.select %ge3A_157, %iota3A, %broadcast_in_dim3A_169 : vector<16xi1>, vector<16xi32>
          %reduce_min3A_171 = arith.constant true
          %reduce_min3A_172 = vector.broadcast %reduce_min3A_171 : i1 to vector<16xi1>
          %reduce_min3A_173 = arith.constant -2147483648 : i32
          %reduce_min3A_174 = vector.broadcast %reduce_min3A_173 : i32 to vector<16xi32>
          %reduce_min3A_175 = arith.xori %select_n3A_170, %reduce_min3A_174 : vector<16xi32>
          %reduce_min3A_176 = tpu.scan <min>, %reduce_min3A_175 masked %reduce_min3A_172 : vector<16xi32>, vector<16xi1> -> vector<16xi32>
          %reduce_min3A_177 = arith.xori %reduce_min3A_176, %reduce_min3A_174 : vector<16xi32>
          %reduce_min3A_178 = vector.extract %reduce_min3A_177[15] : i32 from vector<16xi32>
          %jit3A_179 = arith.constant 0 : i32
          %broadcast_in_dim3A_180 = vector.broadcast %jit3A_179 : i32 to vector<16xi32>
          %select_n3A_181 = arith.select %ge3A_157, %broadcast_in_dim3A_180, %add3A_155 : vector<16xi1>, vector<16xi32>
          %reduce_max3A_182 = arith.constant true
          %reduce_max3A_183 = vector.broadcast %reduce_max3A_182 : i1 to vector<16xi1>
          %reduce_max3A_184 = arith.constant -2147483648 : i32
          %reduce_max3A_185 = vector.broadcast %reduce_max3A_184 : i32 to vector<16xi32>
          %reduce_max3A_186 = arith.xori %select_n3A_181, %reduce_max3A_185 : vector<16xi32>
          %reduce_max3A_187 = tpu.scan <max>, %reduce_max3A_186 masked %reduce_max3A_183 : vector<16xi32>, vector<16xi1> -> vector<16xi32>
          %reduce_max3A_188 = arith.xori %reduce_max3A_187, %reduce_max3A_185 : vector<16xi32>
          %reduce_max3A_189 = vector.extract %reduce_max3A_188[15] : i32 from vector<16xi32>
          %max3A_190 = arith.maxsi %reduce_max3A_189, %while3A_144 : i32
          %mul3A_191 = arith.constant 16 : i32
          %mul3A_192 = arith.muli %while3A_143, %mul3A_191 : i32
          %add3A_193 = arith.addi %mul3A_192, %reduce_min3A_178 : i32
          %select_n3A_194 = arith.select %reduce_or3A_167, %add3A_193, %while3A_146 : i32
          %select_n3A_195 = arith.select %reduce_or3A_167, %max3A_190, %while3A_147 : i32
          %jit3A_196 = arith.constant 1 : i32
          %select_n3A_197 = arith.select %reduce_or3A_167, %jit3A_196, %while3A_145 : i32
          %add3A_198 = arith.constant 1 : i32
          %add3A_199 = arith.addi %while3A_143, %add3A_198 : i32
          %reduce_max3A_200 = arith.constant true
          %reduce_max3A_201 = vector.broadcast %reduce_max3A_200 : i1 to vector<16xi1>
          %reduce_max3A_202 = arith.constant -2147483648 : i32
          %reduce_max3A_203 = vector.broadcast %reduce_max3A_202 : i32 to vector<16xi32>
          %reduce_max3A_204 = arith.xori %add3A_155, %reduce_max3A_203 : vector<16xi32>
          %reduce_max3A_205 = tpu.scan <max>, %reduce_max3A_204 masked %reduce_max3A_201 : vector<16xi32>, vector<16xi1> -> vector<16xi32>
          %reduce_max3A_206 = arith.xori %reduce_max3A_205, %reduce_max3A_203 : vector<16xi32>
          %reduce_max3A_207 = vector.extract %reduce_max3A_206[15] : i32 from vector<16xi32>
          scf.yield %add3A_199, %reduce_max3A_207, %select_n3A_197, %select_n3A_194, %select_n3A_195 : i32, i32, i32, i32, i32
        }
        %swap3A = arith.constant 0 : index
        %swap3A_93 = tpu.vector_load %arg21[%swap3A] {strides = array<i32>} : memref<16xf32, #tpu.memory_space<vmem>>, vector<16xf32>,
        tpu.vector_store %arg21[%swap3A], %broadcast_in_dim3A_37 {strides = array<i32>} : memref<16xf32, #tpu.memory_space<vmem>>, vector<16xf32>,
        %swap3A_94 = arith.constant 0 : index
        %swap3A_95 = tpu.vector_load %arg22[%swap3A_94] {strides = array<i32>} : memref<16xi32, #tpu.memory_space<vmem>>, vector<16xi32>,
        tpu.vector_store %arg22[%swap3A_94], %broadcast_in_dim3A_35 {strides = array<i32>} : memref<16xi32, #tpu.memory_space<vmem>>, vector<16xi32>,
        %parallel_loop3A_96 = arith.constant 0 : i32
        %parallel_loop3A_97 = arith.constant 256 : i32
        %parallel_loop3A_98 = arith.constant 1 : i32
        %parallel_loop3A_99 = arith.constant 0 : i32
        %parallel_loop3A_100 = arith.constant 0 : i32
        %parallel_loop3A_101:2 = scf.for %parallel_loop3A_143 = %parallel_loop3A_96 to %parallel_loop3A_97 step %parallel_loop3A_98 iter_args(%parallel_loop3A_144 = %parallel_loop3A_99, %parallel_loop3A_145 = %parallel_loop3A_100) -> (i32, i32)  : i32 {
          %parallel_loop3A_146 = arith.constant 16 : i32
          %parallel_loop3A_147 = arith.muli %parallel_loop3A_143, %parallel_loop3A_146 : i32
          %parallel_loop3A_148 = tpu.assume_multiple %parallel_loop3A_147, 16 : i32
          %parallel_loop3A_149 = arith.index_cast %scan3A_57 : i32 to index
          %parallel_loop3A_150 = arith.index_cast %parallel_loop3A_148 : i32 to index
          %parallel_loop3A_151 = tpu.vector_load %arg12[%parallel_loop3A_149, %parallel_loop3A_150] {strides = array<i32>} : memref<8x4096xf32, #tpu.memory_space<vmem>>, vector<16xf32>,
          %parallel_loop3A_152 = vector.broadcast %reduce_min3A_67 : f32 to vector<16xf32>
          %parallel_loop3A_153 = arith.subf %parallel_loop3A_151, %parallel_loop3A_152 : vector<16xf32>
          %parallel_loop3A_154 = arith.mulf %parallel_loop3A_153, %div3A_81 : vector<16xf32>
          %parallel_loop3A_155 = arith.constant 4.095000e+03 : f32
          %parallel_loop3A_156 = vector.broadcast %parallel_loop3A_155 : f32 to vector<16xf32>
          %parallel_loop3A_157 = arith.minimumf %parallel_loop3A_154, %parallel_loop3A_156 : vector<16xf32>
          %parallel_loop3A_158 = arith.fptosi %parallel_loop3A_157 : vector<16xf32> to vector<16xi32>
          %parallel_loop3A_159 = arith.constant true
          %parallel_loop3A_160 = vector.broadcast %parallel_loop3A_159 : i1 to vector<16xi1>
          %parallel_loop3A_161 = arith.constant -2147483648 : i32
          %parallel_loop3A_162 = vector.broadcast %parallel_loop3A_161 : i32 to vector<16xi32>
          %parallel_loop3A_163 = arith.xori %parallel_loop3A_158, %parallel_loop3A_162 : vector<16xi32>
          %parallel_loop3A_164 = tpu.scan <min>, %parallel_loop3A_163 masked %parallel_loop3A_160 : vector<16xi32>, vector<16xi1> -> vector<16xi32>
          %parallel_loop3A_165 = arith.xori %parallel_loop3A_164, %parallel_loop3A_162 : vector<16xi32>
          %parallel_loop3A_166 = vector.extract %parallel_loop3A_165[15] : i32 from vector<16xi32>
          %parallel_loop3A_167 = arith.cmpi sle, %parallel_loop3A_166, %while3A_92#3 : i32
          %parallel_loop3A_168 = arith.extui %parallel_loop3A_167 : i1 to i32
          %parallel_loop3A_169 = arith.constant 0 : i32
          %parallel_loop3A_170 = arith.cmpi ne, %parallel_loop3A_168, %parallel_loop3A_169 : i32
          %parallel_loop3A_171:2 = scf.if %parallel_loop3A_170 -> (i32, i32) {
            %parallel_loop3A_172 = arith.constant 16 : i32
            %parallel_loop3A_173 = arith.muli %parallel_loop3A_143, %parallel_loop3A_172 : i32
            %parallel_loop3A_174 = vector.broadcast %parallel_loop3A_173 : i32 to vector<16xi32>
            %parallel_loop3A_175 = arith.addi %iota3A, %parallel_loop3A_174 : vector<16xi32>
            %parallel_loop3A_176 = vector.broadcast %while3A_92#3 : i32 to vector<16xi32>
            %parallel_loop3A_177 = arith.cmpi slt, %parallel_loop3A_158, %parallel_loop3A_176 : vector<16xi32>
            %parallel_loop3A_178 = arith.extui %parallel_loop3A_177 : vector<16xi1> to vector<16xi32>
            %parallel_loop3A_179 = arith.constant true
            %parallel_loop3A_180 = vector.broadcast %parallel_loop3A_179 : i1 to vector<16xi1>
            %parallel_loop3A_181 = tpu.scan <sum>, %parallel_loop3A_178 masked %parallel_loop3A_180 : vector<16xi32>, vector<16xi1> -> vector<16xi32>
            %parallel_loop3A_182 = arith.constant 1 : i32
            %parallel_loop3A_183 = vector.broadcast %parallel_loop3A_182 : i32 to vector<16xi32>
            %parallel_loop3A_184 = arith.subi %parallel_loop3A_181, %parallel_loop3A_183 : vector<16xi32>
            %parallel_loop3A_185 = vector.broadcast %parallel_loop3A_144 : i32 to vector<16xi32>
            %parallel_loop3A_186 = arith.addi %parallel_loop3A_184, %parallel_loop3A_185 : vector<16xi32>
            tpu.vector_store_idx %arg20[%parallel_loop3A_186], %parallel_loop3A_175 masked %parallel_loop3A_177 : memref<32xi32, #tpu.memory_space<vmem>>[vector<16xi32>], vector<16xi32>, vector<16xi1>
            %parallel_loop3A_187 = vector.broadcast %while3A_92#3 : i32 to vector<16xi32>
            %parallel_loop3A_188 = arith.cmpi eq, %parallel_loop3A_158, %parallel_loop3A_187 : vector<16xi32>
            %parallel_loop3A_189 = arith.extui %parallel_loop3A_188 : vector<16xi1> to vector<16xi32>
            %parallel_loop3A_190 = arith.constant true
            %parallel_loop3A_191 = vector.broadcast %parallel_loop3A_190 : i1 to vector<16xi1>
            %parallel_loop3A_192 = tpu.scan <sum>, %parallel_loop3A_189 masked %parallel_loop3A_191 : vector<16xi32>, vector<16xi1> -> vector<16xi32>
            %parallel_loop3A_193 = arith.constant 1 : i32
            %parallel_loop3A_194 = vector.broadcast %parallel_loop3A_193 : i32 to vector<16xi32>
            %parallel_loop3A_195 = arith.subi %parallel_loop3A_192, %parallel_loop3A_194 : vector<16xi32>
            %parallel_loop3A_196 = vector.broadcast %parallel_loop3A_145 : i32 to vector<16xi32>
            %parallel_loop3A_197 = arith.addi %parallel_loop3A_195, %parallel_loop3A_196 : vector<16xi32>
            %parallel_loop3A_198 = arith.constant 16 : i32
            %parallel_loop3A_199 = vector.broadcast %parallel_loop3A_198 : i32 to vector<16xi32>
            %parallel_loop3A_200 = arith.cmpi slt, %parallel_loop3A_197, %parallel_loop3A_199 : vector<16xi32>
            %parallel_loop3A_201 = arith.andi %parallel_loop3A_188, %parallel_loop3A_200 : vector<16xi1>
            tpu.vector_store_idx %arg21[%parallel_loop3A_197], %parallel_loop3A_151 masked %parallel_loop3A_201 : memref<16xf32, #tpu.memory_space<vmem>>[vector<16xi32>], vector<16xf32>, vector<16xi1>
            tpu.vector_store_idx %arg22[%parallel_loop3A_197], %parallel_loop3A_175 masked %parallel_loop3A_201 : memref<16xi32, #tpu.memory_space<vmem>>[vector<16xi32>], vector<16xi32>, vector<16xi1>
            %parallel_loop3A_202 = arith.constant true
            %parallel_loop3A_203 = vector.broadcast %parallel_loop3A_202 : i1 to vector<16xi1>
            %parallel_loop3A_204 = arith.constant -2147483648 : i32
            %parallel_loop3A_205 = vector.broadcast %parallel_loop3A_204 : i32 to vector<16xi32>
            %parallel_loop3A_206 = arith.xori %parallel_loop3A_181, %parallel_loop3A_205 : vector<16xi32>
            %parallel_loop3A_207 = tpu.scan <max>, %parallel_loop3A_206 masked %parallel_loop3A_203 : vector<16xi32>, vector<16xi1> -> vector<16xi32>
            %parallel_loop3A_208 = arith.xori %parallel_loop3A_207, %parallel_loop3A_205 : vector<16xi32>
            %parallel_loop3A_209 = vector.extract %parallel_loop3A_208[15] : i32 from vector<16xi32>
            %parallel_loop3A_210 = arith.addi %parallel_loop3A_144, %parallel_loop3A_209 : i32
            %parallel_loop3A_211 = arith.constant true
            %parallel_loop3A_212 = vector.broadcast %parallel_loop3A_211 : i1 to vector<16xi1>
            %parallel_loop3A_213 = arith.constant -2147483648 : i32
            %parallel_loop3A_214 = vector.broadcast %parallel_loop3A_213 : i32 to vector<16xi32>
            %parallel_loop3A_215 = arith.xori %parallel_loop3A_192, %parallel_loop3A_214 : vector<16xi32>
            %parallel_loop3A_216 = tpu.scan <max>, %parallel_loop3A_215 masked %parallel_loop3A_212 : vector<16xi32>, vector<16xi1> -> vector<16xi32>
            %parallel_loop3A_217 = arith.xori %parallel_loop3A_216, %parallel_loop3A_214 : vector<16xi32>
            %parallel_loop3A_218 = vector.extract %parallel_loop3A_217[15] : i32 from vector<16xi32>
            %parallel_loop3A_219 = arith.addi %parallel_loop3A_145, %parallel_loop3A_218 : i32
            scf.yield %parallel_loop3A_210, %parallel_loop3A_219 : i32, i32
          } else {
            scf.yield %parallel_loop3A_144, %parallel_loop3A_145 : i32, i32
          }
          scf.yield %parallel_loop3A_171#0, %parallel_loop3A_171#1 : i32, i32
        } {sc.loop_unroll_factor = 2 : i64, sc.parallel_access}
        %get3A = arith.constant 0 : index
        %get3A_102 = tpu.vector_load %arg21[%get3A] {strides = array<i32>} : memref<16xf32, #tpu.memory_space<vmem>>, vector<16xf32>,
        %get3A_103 = arith.constant 0 : index
        %get3A_104 = tpu.vector_load %arg22[%get3A_103] {strides = array<i32>} : memref<16xi32, #tpu.memory_space<vmem>>, vector<16xi32>,
        %masked_sort3A = arith.constant dense<true> : vector<16xi1>
        %masked_sort3A_105, %masked_sort3A_106, %masked_sort3A_107 = tpu.sort %get3A_102, %get3A_104 masked %masked_sort3A : (vector<16xf32>, vector<16xi32>, vector<16xi1>) -> (vector<16xi1>, vector<16xf32>, vector<16xi32>)
        %add3A_108 = vector.broadcast %while3A_92#4 : i32 to vector<16xi32>
        %add3A_109 = arith.addi %iota3A, %add3A_108 : vector<16xi32>
        %sub3A_110 = arith.constant 32 : i32
        %sub3A_111 = arith.subi %sub3A_110, %while3A_92#4 : i32
        %lt3A_112 = vector.broadcast %sub3A_111 : i32 to vector<16xi32>
        %lt3A_113 = arith.cmpi slt, %iota3A, %lt3A_112 : vector<16xi32>
        tpu.vector_store_idx %arg20[%add3A_109], %masked_sort3A_107 masked %lt3A_113 : memref<32xi32, #tpu.memory_space<vmem>>[vector<16xi32>], vector<16xi32>, vector<16xi1>
        %broadcast_in_dim3A_114 = vector.broadcast %add3A_61 : i32 to vector<16xi32>
        %gather3A = tpu.vector_load_idx %arg16[%broadcast_in_dim3A_114] : memref<64xf32, #tpu.memory_space<vmem>>[vector<16xi32>], vector<16xf32>,
        %gather3A_115 = tpu.vector_load_idx %arg17[%broadcast_in_dim3A_114] : memref<64xf32, #tpu.memory_space<vmem>>[vector<16xi32>], vector<16xf32>,
        %gather3A_116 = tpu.vector_load_idx %arg18[%broadcast_in_dim3A_114] : memref<64xf32, #tpu.memory_space<vmem>>[vector<16xi32>], vector<16xf32>,
        %get3A_117 = arith.constant 0 : index
        %get3A_118 = tpu.vector_load %arg20[%get3A_117] {strides = array<i32>} : memref<32xi32, #tpu.memory_space<vmem>>, vector<16xi32>,
        %get3A_119 = arith.constant 16 : index
        %get3A_120 = tpu.vector_load %arg20[%get3A_119] {strides = array<i32>} : memref<32xi32, #tpu.memory_space<vmem>>, vector<16xi32>,
        %gather3A_121 = tpu.vector_load_idx %arg13[%get3A_118] : memref<4096xf32, #tpu.memory_space<vmem>>[vector<16xi32>], vector<16xf32>,
        %sub3A_122 = arith.subf %gather3A_121, %gather3A : vector<16xf32>
        tpu.vector_store_idx %arg23[%broadcast_in_dim3A_114, %iota3A], %sub3A_122 : memref<64x32xf32, #tpu.memory_space<vmem>>[vector<16xi32>, vector<16xi32>], vector<16xf32>,
        %add3A_123 = arith.constant 16 : i32
        %add3A_124 = vector.broadcast %add3A_123 : i32 to vector<16xi32>
        %add3A_125 = arith.addi %iota3A, %add3A_124 : vector<16xi32>
        %gather3A_126 = tpu.vector_load_idx %arg13[%get3A_120] : memref<4096xf32, #tpu.memory_space<vmem>>[vector<16xi32>], vector<16xf32>,
        %sub3A_127 = arith.subf %gather3A_126, %gather3A : vector<16xf32>
        tpu.vector_store_idx %arg23[%broadcast_in_dim3A_114, %add3A_125], %sub3A_127 : memref<64x32xf32, #tpu.memory_space<vmem>>[vector<16xi32>, vector<16xi32>], vector<16xf32>,
        %gather3A_128 = tpu.vector_load_idx %arg14[%get3A_118] : memref<4096xf32, #tpu.memory_space<vmem>>[vector<16xi32>], vector<16xf32>,
        %sub3A_129 = arith.subf %gather3A_128, %gather3A_115 : vector<16xf32>
        tpu.vector_store_idx %arg24[%broadcast_in_dim3A_114, %iota3A], %sub3A_129 : memref<64x32xf32, #tpu.memory_space<vmem>>[vector<16xi32>, vector<16xi32>], vector<16xf32>,
        %add3A_130 = arith.constant 16 : i32
        %add3A_131 = vector.broadcast %add3A_130 : i32 to vector<16xi32>
        %add3A_132 = arith.addi %iota3A, %add3A_131 : vector<16xi32>
        %gather3A_133 = tpu.vector_load_idx %arg14[%get3A_120] : memref<4096xf32, #tpu.memory_space<vmem>>[vector<16xi32>], vector<16xf32>,
        %sub3A_134 = arith.subf %gather3A_133, %gather3A_115 : vector<16xf32>
        tpu.vector_store_idx %arg24[%broadcast_in_dim3A_114, %add3A_132], %sub3A_134 : memref<64x32xf32, #tpu.memory_space<vmem>>[vector<16xi32>, vector<16xi32>], vector<16xf32>,
        %gather3A_135 = tpu.vector_load_idx %arg15[%get3A_118] : memref<4096xf32, #tpu.memory_space<vmem>>[vector<16xi32>], vector<16xf32>,
        %sub3A_136 = arith.subf %gather3A_135, %gather3A_116 : vector<16xf32>
        tpu.vector_store_idx %arg25[%broadcast_in_dim3A_114, %iota3A], %sub3A_136 : memref<64x32xf32, #tpu.memory_space<vmem>>[vector<16xi32>, vector<16xi32>], vector<16xf32>,
        %add3A_137 = arith.constant 16 : i32
        %add3A_138 = vector.broadcast %add3A_137 : i32 to vector<16xi32>
        %add3A_139 = arith.addi %iota3A, %add3A_138 : vector<16xi32>
        %gather3A_140 = tpu.vector_load_idx %arg15[%get3A_120] : memref<4096xf32, #tpu.memory_space<vmem>>[vector<16xi32>], vector<16xf32>,
        %sub3A_141 = arith.subf %gather3A_140, %gather3A_116 : vector<16xf32>
        tpu.vector_store_idx %arg25[%broadcast_in_dim3A_114, %add3A_139], %sub3A_141 : memref<64x32xf32, #tpu.memory_space<vmem>>[vector<16xi32>, vector<16xi32>], vector<16xf32>,
        %scan3A_142 = arith.constant 0 : i32
        scf.yield %scan3A_142 : i32
      }
      %scan3A_55 = arith.constant 8 : i32
      %scan3A_56 = arith.constant 0 : i32
      scf.yield %scan3A_56 : i32
    }
    %scan3A_43 = arith.constant 8 : i32
    "tpu.region"() ({
      %run_scoped3A = tpu.sem_alloc : memref<!tpu.dma_semaphore, #tpu.memory_space<semaphore_mem>>
      %dma_start3A = arith.constant 0 : i32
      %dma_start3A_44 = tpu.memref_slice %arg9[%select_n3A, %mul3A_32, %dma_start3A] : memref<16x128x32xf32, #tpu.memory_space<hbm>> -> memref<1x64x32xf32, #tpu.memory_space<hbm>>
      %dma_start3A_45 = tpu.memref_squeeze %dma_start3A_44 : memref<1x64x32xf32, #tpu.memory_space<hbm>> -> memref<64x32xf32, #tpu.memory_space<hbm>>
      %dma_start3A_46 = arith.constant 0 : i32
      %dma_start3A_47 = tpu.memref_slice %arg9[%select_n3A, %mul3A_32, %dma_start3A_46] : memref<16x128x32xf32, #tpu.memory_space<hbm>> -> memref<1x64x32xf32, #tpu.memory_space<hbm>>
      %dma_start3A_48 = tpu.memref_squeeze %dma_start3A_47 : memref<1x64x32xf32, #tpu.memory_space<hbm>> -> memref<64x32xf32, #tpu.memory_space<hbm>>
      tpu.enqueue_dma source(%arg23 : memref<64x32xf32, #tpu.memory_space<vmem>>) target(%dma_start3A_48 : memref<64x32xf32, #tpu.memory_space<hbm>>) target_semaphore(%run_scoped3A : memref<!tpu.dma_semaphore, #tpu.memory_space<semaphore_mem>>)
      %dma_wait3A = arith.constant 0 : i32
      %dma_wait3A_49 = tpu.memref_slice %arg9[%select_n3A, %mul3A_32, %dma_wait3A] : memref<16x128x32xf32, #tpu.memory_space<hbm>> -> memref<1x64x32xf32, #tpu.memory_space<hbm>>
      %dma_wait3A_50 = tpu.memref_squeeze %dma_wait3A_49 : memref<1x64x32xf32, #tpu.memory_space<hbm>> -> memref<64x32xf32, #tpu.memory_space<hbm>>
      %dma_wait3A_51 = arith.constant 0 : i32
      %dma_wait3A_52 = tpu.memref_slice %arg9[%select_n3A, %mul3A_32, %dma_wait3A_51] : memref<16x128x32xf32, #tpu.memory_space<hbm>> -> memref<1x64x32xf32, #tpu.memory_space<hbm>>
      %dma_wait3A_53 = tpu.memref_squeeze %dma_wait3A_52 : memref<1x64x32xf32, #tpu.memory_space<hbm>> -> memref<64x32xf32, #tpu.memory_space<hbm>>
      tpu.wait_dma2 semaphore(%run_scoped3A : memref<!tpu.dma_semaphore, #tpu.memory_space<semaphore_mem>>) src(%arg23 : memref<64x32xf32, #tpu.memory_space<vmem>>) dst(%dma_wait3A_53 : memref<64x32xf32, #tpu.memory_space<hbm>>)
      tpu.yield
    }) : () -> ()
    "tpu.region"() ({
      %run_scoped3A = tpu.sem_alloc : memref<!tpu.dma_semaphore, #tpu.memory_space<semaphore_mem>>
      %dma_start3A = arith.constant 0 : i32
      %dma_start3A_44 = tpu.memref_slice %arg10[%select_n3A, %mul3A_32, %dma_start3A] : memref<16x128x32xf32, #tpu.memory_space<hbm>> -> memref<1x64x32xf32, #tpu.memory_space<hbm>>
      %dma_start3A_45 = tpu.memref_squeeze %dma_start3A_44 : memref<1x64x32xf32, #tpu.memory_space<hbm>> -> memref<64x32xf32, #tpu.memory_space<hbm>>
      %dma_start3A_46 = arith.constant 0 : i32
      %dma_start3A_47 = tpu.memref_slice %arg10[%select_n3A, %mul3A_32, %dma_start3A_46] : memref<16x128x32xf32, #tpu.memory_space<hbm>> -> memref<1x64x32xf32, #tpu.memory_space<hbm>>
      %dma_start3A_48 = tpu.memref_squeeze %dma_start3A_47 : memref<1x64x32xf32, #tpu.memory_space<hbm>> -> memref<64x32xf32, #tpu.memory_space<hbm>>
      tpu.enqueue_dma source(%arg24 : memref<64x32xf32, #tpu.memory_space<vmem>>) target(%dma_start3A_48 : memref<64x32xf32, #tpu.memory_space<hbm>>) target_semaphore(%run_scoped3A : memref<!tpu.dma_semaphore, #tpu.memory_space<semaphore_mem>>)
      %dma_wait3A = arith.constant 0 : i32
      %dma_wait3A_49 = tpu.memref_slice %arg10[%select_n3A, %mul3A_32, %dma_wait3A] : memref<16x128x32xf32, #tpu.memory_space<hbm>> -> memref<1x64x32xf32, #tpu.memory_space<hbm>>
      %dma_wait3A_50 = tpu.memref_squeeze %dma_wait3A_49 : memref<1x64x32xf32, #tpu.memory_space<hbm>> -> memref<64x32xf32, #tpu.memory_space<hbm>>
      %dma_wait3A_51 = arith.constant 0 : i32
      %dma_wait3A_52 = tpu.memref_slice %arg10[%select_n3A, %mul3A_32, %dma_wait3A_51] : memref<16x128x32xf32, #tpu.memory_space<hbm>> -> memref<1x64x32xf32, #tpu.memory_space<hbm>>
      %dma_wait3A_53 = tpu.memref_squeeze %dma_wait3A_52 : memref<1x64x32xf32, #tpu.memory_space<hbm>> -> memref<64x32xf32, #tpu.memory_space<hbm>>
      tpu.wait_dma2 semaphore(%run_scoped3A : memref<!tpu.dma_semaphore, #tpu.memory_space<semaphore_mem>>) src(%arg24 : memref<64x32xf32, #tpu.memory_space<vmem>>) dst(%dma_wait3A_53 : memref<64x32xf32, #tpu.memory_space<hbm>>)
      tpu.yield
    }) : () -> ()
    "tpu.region"() ({
      %run_scoped3A = tpu.sem_alloc : memref<!tpu.dma_semaphore, #tpu.memory_space<semaphore_mem>>
      %dma_start3A = arith.constant 0 : i32
      %dma_start3A_44 = tpu.memref_slice %arg11[%select_n3A, %mul3A_32, %dma_start3A] : memref<16x128x32xf32, #tpu.memory_space<hbm>> -> memref<1x64x32xf32, #tpu.memory_space<hbm>>
      %dma_start3A_45 = tpu.memref_squeeze %dma_start3A_44 : memref<1x64x32xf32, #tpu.memory_space<hbm>> -> memref<64x32xf32, #tpu.memory_space<hbm>>
      %dma_start3A_46 = arith.constant 0 : i32
      %dma_start3A_47 = tpu.memref_slice %arg11[%select_n3A, %mul3A_32, %dma_start3A_46] : memref<16x128x32xf32, #tpu.memory_space<hbm>> -> memref<1x64x32xf32, #tpu.memory_space<hbm>>
      %dma_start3A_48 = tpu.memref_squeeze %dma_start3A_47 : memref<1x64x32xf32, #tpu.memory_space<hbm>> -> memref<64x32xf32, #tpu.memory_space<hbm>>
      tpu.enqueue_dma source(%arg25 : memref<64x32xf32, #tpu.memory_space<vmem>>) target(%dma_start3A_48 : memref<64x32xf32, #tpu.memory_space<hbm>>) target_semaphore(%run_scoped3A : memref<!tpu.dma_semaphore, #tpu.memory_space<semaphore_mem>>)
      %dma_wait3A = arith.constant 0 : i32
      %dma_wait3A_49 = tpu.memref_slice %arg11[%select_n3A, %mul3A_32, %dma_wait3A] : memref<16x128x32xf32, #tpu.memory_space<hbm>> -> memref<1x64x32xf32, #tpu.memory_space<hbm>>
      %dma_wait3A_50 = tpu.memref_squeeze %dma_wait3A_49 : memref<1x64x32xf32, #tpu.memory_space<hbm>> -> memref<64x32xf32, #tpu.memory_space<hbm>>
      %dma_wait3A_51 = arith.constant 0 : i32
      %dma_wait3A_52 = tpu.memref_slice %arg11[%select_n3A, %mul3A_32, %dma_wait3A_51] : memref<16x128x32xf32, #tpu.memory_space<hbm>> -> memref<1x64x32xf32, #tpu.memory_space<hbm>>
      %dma_wait3A_53 = tpu.memref_squeeze %dma_wait3A_52 : memref<1x64x32xf32, #tpu.memory_space<hbm>> -> memref<64x32xf32, #tpu.memory_space<hbm>>
      tpu.wait_dma2 semaphore(%run_scoped3A : memref<!tpu.dma_semaphore, #tpu.memory_space<semaphore_mem>>) src(%arg25 : memref<64x32xf32, #tpu.memory_space<vmem>>) dst(%dma_wait3A_53 : memref<64x32xf32, #tpu.memory_space<hbm>>)
      tpu.yield
    }) : () -> ()
    return
  }
}

module attributes {stable_mosaic.version = 14 : i64} {
  func.func @_fps_body(%arg0: memref<16x4096xf32, #tpu.memory_space<vmem>>, %arg1: memref<16x4096xf32, #tpu.memory_space<vmem>>, %arg2: memref<16x4096xf32, #tpu.memory_space<vmem>>, %arg3: memref<128x16xf32, #tpu.memory_space<vmem>>, %arg4: memref<128x16xf32, #tpu.memory_space<vmem>>, %arg5: memref<128x16xf32, #tpu.memory_space<vmem>>) attributes {dimension_semantics = [], scalar_prefetch = 0 : i64, scratch_operands = 0 : i64, tpu.core_type = #tpu.core_type<tc>} {
    %get3A = arith.constant 0 : index
    %get3A_0 = arith.constant 0 : index
    %get3A_1 = vector.load %arg0[%get3A, %get3A_0] : memref<16x4096xf32, #tpu.memory_space<vmem>>, vector<16x4096xf32>
    %get3A_2 = arith.constant 0 : index
    %get3A_3 = arith.constant 0 : index
    %get3A_4 = vector.load %arg1[%get3A_2, %get3A_3] : memref<16x4096xf32, #tpu.memory_space<vmem>>, vector<16x4096xf32>
    %get3A_5 = arith.constant 0 : index
    %get3A_6 = arith.constant 0 : index
    %get3A_7 = vector.load %arg2[%get3A_5, %get3A_6] : memref<16x4096xf32, #tpu.memory_space<vmem>>, vector<16x4096xf32>
    %iota3A = tpu.iota {dimensions = array<i32: 1>} : vector<16x4096xi32>
    %broadcast_in_dim3A = arith.constant 0x7F800000 : f32
    %broadcast_in_dim3A_8 = vector.broadcast %broadcast_in_dim3A : f32 to vector<16x4096xf32>
    %broadcast_in_dim3A_9 = arith.constant 0 : i32
    %broadcast_in_dim3A_10 = vector.broadcast %broadcast_in_dim3A_9 : i32 to vector<16xi32>
    %scan3A = arith.constant 0 : i32
    %scan3A_11 = arith.constant 128 : i32
    %scan3A_12 = arith.addi %scan3A, %scan3A_11 : i32
    %scan3A_13 = arith.constant 1 : i32
    %scan3A_14:2 = scf.for %scan3A_16 = %scan3A to %scan3A_12 step %scan3A_13 iter_args(%scan3A_17 = %broadcast_in_dim3A_8, %scan3A_18 = %broadcast_in_dim3A_10) -> (vector<16x4096xf32>, vector<16xi32>)  : i32 {
      %broadcast_in_dim3A_19 = vector.shape_cast %scan3A_18 : vector<16xi32> to vector<16x1xi32>
      %eq3A = vector.broadcast %broadcast_in_dim3A_19 : vector<16x1xi32> to vector<16x4096xi32>
      %eq3A_20 = arith.cmpi eq, %iota3A, %eq3A : vector<16x4096xi32>
      %jit3A = arith.constant 0.000000e+00 : f32
      %broadcast_in_dim3A_21 = vector.broadcast %jit3A : f32 to vector<16x4096xf32>
      %select_n3A = arith.select %eq3A_20, %get3A_1, %broadcast_in_dim3A_21 : vector<16x4096xi1>, vector<16x4096xf32>
      %reduce_sum3A = arith.constant dense<0.000000e+00> : vector<16xf32>
      %reduce_sum3A_22 = vector.multi_reduction <add>, %select_n3A, %reduce_sum3A [1] : vector<16x4096xf32> to vector<16xf32>
      %jit3A_23 = arith.constant 0.000000e+00 : f32
      %broadcast_in_dim3A_24 = vector.broadcast %jit3A_23 : f32 to vector<16x4096xf32>
      %select_n3A_25 = arith.select %eq3A_20, %get3A_4, %broadcast_in_dim3A_24 : vector<16x4096xi1>, vector<16x4096xf32>
      %reduce_sum3A_26 = arith.constant dense<0.000000e+00> : vector<16xf32>
      %reduce_sum3A_27 = vector.multi_reduction <add>, %select_n3A_25, %reduce_sum3A_26 [1] : vector<16x4096xf32> to vector<16xf32>
      %jit3A_28 = arith.constant 0.000000e+00 : f32
      %broadcast_in_dim3A_29 = vector.broadcast %jit3A_28 : f32 to vector<16x4096xf32>
      %select_n3A_30 = arith.select %eq3A_20, %get3A_7, %broadcast_in_dim3A_29 : vector<16x4096xi1>, vector<16x4096xf32>
      %reduce_sum3A_31 = arith.constant dense<0.000000e+00> : vector<16xf32>
      %reduce_sum3A_32 = vector.multi_reduction <add>, %select_n3A_30, %reduce_sum3A_31 [1] : vector<16x4096xf32> to vector<16xf32>
      %broadcast_in_dim3A_33 = vector.shape_cast %reduce_sum3A_22 : vector<16xf32> to vector<1x16xf32>
      %swap3A = arith.index_cast %scan3A_16 : i32 to index
      %swap3A_34 = arith.constant 0 : index
      %swap3A_35 = vector.load %arg3[%swap3A, %swap3A_34] : memref<128x16xf32, #tpu.memory_space<vmem>>, vector<1x16xf32>
      tpu.vector_store %arg3[%swap3A, %swap3A_34], %broadcast_in_dim3A_33 {strides = array<i32>} : memref<128x16xf32, #tpu.memory_space<vmem>>, vector<1x16xf32>,
      %broadcast_in_dim3A_36 = vector.shape_cast %reduce_sum3A_27 : vector<16xf32> to vector<1x16xf32>
      %swap3A_37 = arith.index_cast %scan3A_16 : i32 to index
      %swap3A_38 = arith.constant 0 : index
      %swap3A_39 = vector.load %arg4[%swap3A_37, %swap3A_38] : memref<128x16xf32, #tpu.memory_space<vmem>>, vector<1x16xf32>
      tpu.vector_store %arg4[%swap3A_37, %swap3A_38], %broadcast_in_dim3A_36 {strides = array<i32>} : memref<128x16xf32, #tpu.memory_space<vmem>>, vector<1x16xf32>,
      %broadcast_in_dim3A_40 = vector.shape_cast %reduce_sum3A_32 : vector<16xf32> to vector<1x16xf32>
      %swap3A_41 = arith.index_cast %scan3A_16 : i32 to index
      %swap3A_42 = arith.constant 0 : index
      %swap3A_43 = vector.load %arg5[%swap3A_41, %swap3A_42] : memref<128x16xf32, #tpu.memory_space<vmem>>, vector<1x16xf32>
      tpu.vector_store %arg5[%swap3A_41, %swap3A_42], %broadcast_in_dim3A_40 {strides = array<i32>} : memref<128x16xf32, #tpu.memory_space<vmem>>, vector<1x16xf32>,
      %broadcast_in_dim3A_44 = vector.shape_cast %reduce_sum3A_22 : vector<16xf32> to vector<16x1xf32>
      %sub3A = vector.broadcast %broadcast_in_dim3A_44 : vector<16x1xf32> to vector<16x4096xf32>
      %sub3A_45 = arith.subf %get3A_1, %sub3A : vector<16x4096xf32>
      %broadcast_in_dim3A_46 = vector.shape_cast %reduce_sum3A_27 : vector<16xf32> to vector<16x1xf32>
      %sub3A_47 = vector.broadcast %broadcast_in_dim3A_46 : vector<16x1xf32> to vector<16x4096xf32>
      %sub3A_48 = arith.subf %get3A_4, %sub3A_47 : vector<16x4096xf32>
      %broadcast_in_dim3A_49 = vector.shape_cast %reduce_sum3A_32 : vector<16xf32> to vector<16x1xf32>
      %sub3A_50 = vector.broadcast %broadcast_in_dim3A_49 : vector<16x1xf32> to vector<16x4096xf32>
      %sub3A_51 = arith.subf %get3A_7, %sub3A_50 : vector<16x4096xf32>
      %mul3A = arith.mulf %sub3A_45, %sub3A_45 : vector<16x4096xf32>
      %mul3A_52 = arith.mulf %sub3A_48, %sub3A_48 : vector<16x4096xf32>
      %add3A = arith.addf %mul3A, %mul3A_52 : vector<16x4096xf32>
      %mul3A_53 = arith.mulf %sub3A_51, %sub3A_51 : vector<16x4096xf32>
      %add3A_54 = arith.addf %add3A, %mul3A_53 : vector<16x4096xf32>
      %min3A = arith.minimumf %scan3A_17, %add3A_54 : vector<16x4096xf32>
      %reduce_max3A = arith.constant dense<0xFF800000> : vector<16xf32>
      %reduce_max3A_55 = vector.multi_reduction <maximumf>, %min3A, %reduce_max3A [1] : vector<16x4096xf32> to vector<16xf32>
      %broadcast_in_dim3A_56 = vector.shape_cast %reduce_max3A_55 : vector<16xf32> to vector<16x1xf32>
      %eq3A_57 = vector.broadcast %broadcast_in_dim3A_56 : vector<16x1xf32> to vector<16x4096xf32>
      %eq3A_58 = arith.cmpf oeq, %min3A, %eq3A_57 : vector<16x4096xf32>
      %jit3A_59 = arith.constant 4096 : i32
      %broadcast_in_dim3A_60 = vector.broadcast %jit3A_59 : i32 to vector<16x4096xi32>
      %select_n3A_61 = arith.select %eq3A_58, %iota3A, %broadcast_in_dim3A_60 : vector<16x4096xi1>, vector<16x4096xi32>
      %reduce_min3A = arith.constant dense<2147483647> : vector<16xi32>
      %reduce_min3A_62 = vector.multi_reduction <minsi>, %select_n3A_61, %reduce_min3A [1] : vector<16x4096xi32> to vector<16xi32>
      scf.yield %min3A, %reduce_min3A_62 : vector<16x4096xf32>, vector<16xi32>
    }
    %scan3A_15 = arith.constant 128 : i32
    return
  }
}

module attributes {stable_mosaic.version = 14 : i64} {
  func.func @_dist_body(%arg0: i32, %arg1: memref<1x1x4096xf32, #tpu.memory_space<vmem>>, %arg2: memref<1x1x4096xf32, #tpu.memory_space<vmem>>, %arg3: memref<1x1x4096xf32, #tpu.memory_space<vmem>>, %arg4: memref<1x128x1xf32, #tpu.memory_space<vmem>>, %arg5: memref<1x128x1xf32, #tpu.memory_space<vmem>>, %arg6: memref<1x128x1xf32, #tpu.memory_space<vmem>>, %arg7: memref<1x128x4096xf32, #tpu.memory_space<vmem>>) attributes {dimension_semantics = [#tpu.dimension_semantics<arbitrary>], iteration_bounds = array<i64: 16>, scalar_prefetch = 0 : i64, scratch_operands = 0 : i64, tpu.core_type = #tpu.core_type<tc>, window_params = [{transform_indices = @transform_0, window_bounds = array<i64: 1, 1, 4096>}, {transform_indices = @transform_1, window_bounds = array<i64: 1, 1, 4096>}, {transform_indices = @transform_2, window_bounds = array<i64: 1, 1, 4096>}, {transform_indices = @transform_3, window_bounds = array<i64: 1, 128, 1>}, {transform_indices = @transform_4, window_bounds = array<i64: 1, 128, 1>}, {transform_indices = @transform_5, window_bounds = array<i64: 1, 128, 1>}, {transform_indices = @transform_6, window_bounds = array<i64: 1, 128, 4096>}]} {
    %get3A = arith.constant 0 : index
    %get3A_0 = arith.constant 0 : index
    %get3A_1 = arith.constant 0 : index
    %get3A_2 = vector.load %arg1[%get3A, %get3A_0, %get3A_1] : memref<1x1x4096xf32, #tpu.memory_space<vmem>>, vector<1x1x4096xf32>
    %get3A_3 = vector.shape_cast %get3A_2 : vector<1x1x4096xf32> to vector<1x4096xf32>
    %get3A_4 = arith.constant 0 : index
    %get3A_5 = arith.constant 0 : index
    %get3A_6 = arith.constant 0 : index
    %get3A_7 = vector.load %arg2[%get3A_4, %get3A_5, %get3A_6] : memref<1x1x4096xf32, #tpu.memory_space<vmem>>, vector<1x1x4096xf32>
    %get3A_8 = vector.shape_cast %get3A_7 : vector<1x1x4096xf32> to vector<1x4096xf32>
    %get3A_9 = arith.constant 0 : index
    %get3A_10 = arith.constant 0 : index
    %get3A_11 = arith.constant 0 : index
    %get3A_12 = vector.load %arg3[%get3A_9, %get3A_10, %get3A_11] : memref<1x1x4096xf32, #tpu.memory_space<vmem>>, vector<1x1x4096xf32>
    %get3A_13 = vector.shape_cast %get3A_12 : vector<1x1x4096xf32> to vector<1x4096xf32>
    %get3A_14 = arith.constant 0 : index
    %get3A_15 = arith.constant 0 : index
    %get3A_16 = arith.constant 0 : index
    %get3A_17 = vector.load %arg4[%get3A_14, %get3A_15, %get3A_16] : memref<1x128x1xf32, #tpu.memory_space<vmem>>, vector<1x128x1xf32>
    %get3A_18 = vector.shape_cast %get3A_17 : vector<1x128x1xf32> to vector<128x1xf32>
    %get3A_19 = arith.constant 0 : index
    %get3A_20 = arith.constant 0 : index
    %get3A_21 = arith.constant 0 : index
    %get3A_22 = vector.load %arg5[%get3A_19, %get3A_20, %get3A_21] : memref<1x128x1xf32, #tpu.memory_space<vmem>>, vector<1x128x1xf32>
    %get3A_23 = vector.shape_cast %get3A_22 : vector<1x128x1xf32> to vector<128x1xf32>
    %get3A_24 = arith.constant 0 : index
    %get3A_25 = arith.constant 0 : index
    %get3A_26 = arith.constant 0 : index
    %get3A_27 = vector.load %arg6[%get3A_24, %get3A_25, %get3A_26] : memref<1x128x1xf32, #tpu.memory_space<vmem>>, vector<1x128x1xf32>
    %get3A_28 = vector.shape_cast %get3A_27 : vector<1x128x1xf32> to vector<128x1xf32>
    %sub3A = vector.broadcast %get3A_18 : vector<128x1xf32> to vector<128x4096xf32>
    %sub3A_29 = vector.broadcast %get3A_3 : vector<1x4096xf32> to vector<128x4096xf32>
    %sub3A_30 = arith.subf %sub3A, %sub3A_29 : vector<128x4096xf32>
    %sub3A_31 = vector.broadcast %get3A_23 : vector<128x1xf32> to vector<128x4096xf32>
    %sub3A_32 = vector.broadcast %get3A_8 : vector<1x4096xf32> to vector<128x4096xf32>
    %sub3A_33 = arith.subf %sub3A_31, %sub3A_32 : vector<128x4096xf32>
    %sub3A_34 = vector.broadcast %get3A_28 : vector<128x1xf32> to vector<128x4096xf32>
    %sub3A_35 = vector.broadcast %get3A_13 : vector<1x4096xf32> to vector<128x4096xf32>
    %sub3A_36 = arith.subf %sub3A_34, %sub3A_35 : vector<128x4096xf32>
    %mul3A = arith.mulf %sub3A_30, %sub3A_30 : vector<128x4096xf32>
    %mul3A_37 = arith.mulf %sub3A_33, %sub3A_33 : vector<128x4096xf32>
    %add3A = arith.addf %mul3A, %mul3A_37 : vector<128x4096xf32>
    %mul3A_38 = arith.mulf %sub3A_36, %sub3A_36 : vector<128x4096xf32>
    %add3A_39 = arith.addf %add3A, %mul3A_38 : vector<128x4096xf32>
    %swap3A = arith.constant 0 : index
    %swap3A_40 = arith.constant 0 : index
    %swap3A_41 = arith.constant 0 : index
    %swap3A_42 = vector.load %arg7[%swap3A, %swap3A_40, %swap3A_41] : memref<1x128x4096xf32, #tpu.memory_space<vmem>>, vector<1x128x4096xf32>
    %swap3A_43 = vector.shape_cast %swap3A_42 : vector<1x128x4096xf32> to vector<128x4096xf32>
    %swap3A_44 = vector.shape_cast %add3A_39 : vector<128x4096xf32> to vector<1x128x4096xf32>
    tpu.vector_store %arg7[%swap3A, %swap3A_40, %swap3A_41], %swap3A_44 {strides = array<i32>} : memref<1x128x4096xf32, #tpu.memory_space<vmem>>, vector<1x128x4096xf32>,
    return
  }
  func.func @transform_0(%arg0: i32) -> (i32, i32, i32) {
    %c0_i32 = arith.constant 0 : i32
    %c0_i32_0 = arith.constant 0 : i32
    %c0_i32_1 = arith.constant 0 : i32
    return %arg0, %c0_i32, %c0_i32_0 : i32, i32, i32
  }
  func.func @transform_1(%arg0: i32) -> (i32, i32, i32) {
    %c0_i32 = arith.constant 0 : i32
    %c0_i32_0 = arith.constant 0 : i32
    %c0_i32_1 = arith.constant 0 : i32
    return %arg0, %c0_i32, %c0_i32_0 : i32, i32, i32
  }
  func.func @transform_2(%arg0: i32) -> (i32, i32, i32) {
    %c0_i32 = arith.constant 0 : i32
    %c0_i32_0 = arith.constant 0 : i32
    %c0_i32_1 = arith.constant 0 : i32
    return %arg0, %c0_i32, %c0_i32_0 : i32, i32, i32
  }
  func.func @transform_3(%arg0: i32) -> (i32, i32, i32) {
    %c0_i32 = arith.constant 0 : i32
    %c0_i32_0 = arith.constant 0 : i32
    %c0_i32_1 = arith.constant 0 : i32
    return %arg0, %c0_i32, %c0_i32_0 : i32, i32, i32
  }
  func.func @transform_4(%arg0: i32) -> (i32, i32, i32) {
    %c0_i32 = arith.constant 0 : i32
    %c0_i32_0 = arith.constant 0 : i32
    %c0_i32_1 = arith.constant 0 : i32
    return %arg0, %c0_i32, %c0_i32_0 : i32, i32, i32
  }
  func.func @transform_5(%arg0: i32) -> (i32, i32, i32) {
    %c0_i32 = arith.constant 0 : i32
    %c0_i32_0 = arith.constant 0 : i32
    %c0_i32_1 = arith.constant 0 : i32
    return %arg0, %c0_i32, %c0_i32_0 : i32, i32, i32
  }
  func.func @transform_6(%arg0: i32) -> (i32, i32, i32) {
    %c0_i32 = arith.constant 0 : i32
    %c0_i32_0 = arith.constant 0 : i32
    %c0_i32_1 = arith.constant 0 : i32
    return %arg0, %c0_i32, %c0_i32_0 : i32, i32, i32
  }
}

module attributes {stable_mosaic.version = 14 : i64} {
  func.func @_mlp1_body(%arg0: i32, %arg1: memref<64x32xf32, #tpu.memory_space<vmem>>, %arg2: memref<64x32xf32, #tpu.memory_space<vmem>>, %arg3: memref<64x32xf32, #tpu.memory_space<vmem>>, %arg4: memref<3x64xf32, #tpu.memory_space<vmem>>, %arg5: memref<1x64xf32, #tpu.memory_space<vmem>>, %arg6: memref<64x32x64xf32, #tpu.memory_space<vmem>>, %arg7: memref<1x64xf32, #tpu.memory_space<vmem>>, %arg8: memref<1x64xf32, #tpu.memory_space<vmem>>) attributes {dimension_semantics = [#tpu.dimension_semantics<arbitrary>], iteration_bounds = array<i64: 32>, scalar_prefetch = 0 : i64, scratch_operands = 0 : i64, tpu.core_type = #tpu.core_type<tc>, window_params = [{transform_indices = @transform_0, window_bounds = array<i64: 64, 32>}, {transform_indices = @transform_1, window_bounds = array<i64: 64, 32>}, {transform_indices = @transform_2, window_bounds = array<i64: 64, 32>}, {pipeline_mode = #tpu.pipeline_mode<synchronous>, transform_indices = @transform_3, window_bounds = array<i64: 3, 64>}, {pipeline_mode = #tpu.pipeline_mode<synchronous>, transform_indices = @transform_4, window_bounds = array<i64: 1, 64>}, {transform_indices = @transform_5, window_bounds = array<i64: 64, 32, 64>}, {pipeline_mode = #tpu.pipeline_mode<synchronous>, transform_indices = @transform_6, window_bounds = array<i64: 1, 64>}, {pipeline_mode = #tpu.pipeline_mode<synchronous>, transform_indices = @transform_7, window_bounds = array<i64: 1, 64>}]} {
    %get3A = arith.constant 0 : index
    %get3A_0 = arith.constant 0 : index
    %get3A_1 = vector.load %arg1[%get3A, %get3A_0] : memref<64x32xf32, #tpu.memory_space<vmem>>, vector<64x32xf32>
    %get3A_2 = arith.constant 0 : index
    %get3A_3 = arith.constant 0 : index
    %get3A_4 = vector.load %arg2[%get3A_2, %get3A_3] : memref<64x32xf32, #tpu.memory_space<vmem>>, vector<64x32xf32>
    %get3A_5 = arith.constant 0 : index
    %get3A_6 = arith.constant 0 : index
    %get3A_7 = vector.load %arg3[%get3A_5, %get3A_6] : memref<64x32xf32, #tpu.memory_space<vmem>>, vector<64x32xf32>
    %get3A_8 = arith.constant 0 : index
    %get3A_9 = arith.constant 0 : index
    %get3A_10 = vector.load %arg4[%get3A_8, %get3A_9] : memref<3x64xf32, #tpu.memory_space<vmem>>, vector<1x64xf32>
    %get3A_11 = vector.shape_cast %get3A_10 : vector<1x64xf32> to vector<64xf32>
    %get3A_12 = arith.constant 1 : index
    %get3A_13 = arith.constant 0 : index
    %get3A_14 = vector.load %arg4[%get3A_12, %get3A_13] : memref<3x64xf32, #tpu.memory_space<vmem>>, vector<1x64xf32>
    %get3A_15 = vector.shape_cast %get3A_14 : vector<1x64xf32> to vector<64xf32>
    %get3A_16 = arith.constant 2 : index
    %get3A_17 = arith.constant 0 : index
    %get3A_18 = vector.load %arg4[%get3A_16, %get3A_17] : memref<3x64xf32, #tpu.memory_space<vmem>>, vector<1x64xf32>
    %get3A_19 = vector.shape_cast %get3A_18 : vector<1x64xf32> to vector<64xf32>
    %get3A_20 = arith.constant 0 : index
    %get3A_21 = arith.constant 0 : index
    %get3A_22 = vector.load %arg5[%get3A_20, %get3A_21] : memref<1x64xf32, #tpu.memory_space<vmem>>, vector<1x64xf32>
    %broadcast_in_dim3A = vector.shape_cast %get3A_1 : vector<64x32xf32> to vector<64x32x1xf32>
    %broadcast_in_dim3A_23 = vector.shape_cast %get3A_11 : vector<64xf32> to vector<1x1x64xf32>
    %mul3A = vector.broadcast %broadcast_in_dim3A : vector<64x32x1xf32> to vector<64x32x64xf32>
    %mul3A_24 = vector.broadcast %broadcast_in_dim3A_23 : vector<1x1x64xf32> to vector<64x32x64xf32>
    %mul3A_25 = arith.mulf %mul3A, %mul3A_24 : vector<64x32x64xf32>
    %broadcast_in_dim3A_26 = vector.shape_cast %get3A_4 : vector<64x32xf32> to vector<64x32x1xf32>
    %broadcast_in_dim3A_27 = vector.shape_cast %get3A_15 : vector<64xf32> to vector<1x1x64xf32>
    %mul3A_28 = vector.broadcast %broadcast_in_dim3A_26 : vector<64x32x1xf32> to vector<64x32x64xf32>
    %mul3A_29 = vector.broadcast %broadcast_in_dim3A_27 : vector<1x1x64xf32> to vector<64x32x64xf32>
    %mul3A_30 = arith.mulf %mul3A_28, %mul3A_29 : vector<64x32x64xf32>
    %add3A = arith.addf %mul3A_25, %mul3A_30 : vector<64x32x64xf32>
    %broadcast_in_dim3A_31 = vector.shape_cast %get3A_7 : vector<64x32xf32> to vector<64x32x1xf32>
    %broadcast_in_dim3A_32 = vector.shape_cast %get3A_19 : vector<64xf32> to vector<1x1x64xf32>
    %mul3A_33 = vector.broadcast %broadcast_in_dim3A_31 : vector<64x32x1xf32> to vector<64x32x64xf32>
    %mul3A_34 = vector.broadcast %broadcast_in_dim3A_32 : vector<1x1x64xf32> to vector<64x32x64xf32>
    %mul3A_35 = arith.mulf %mul3A_33, %mul3A_34 : vector<64x32x64xf32>
    %add3A_36 = arith.addf %add3A, %mul3A_35 : vector<64x32x64xf32>
    %broadcast_in_dim3A_37 = vector.shape_cast %get3A_22 : vector<1x64xf32> to vector<1x1x64xf32>
    %add3A_38 = vector.broadcast %broadcast_in_dim3A_37 : vector<1x1x64xf32> to vector<64x32x64xf32>
    %add3A_39 = arith.addf %add3A_36, %add3A_38 : vector<64x32x64xf32>
    %swap3A = arith.constant 0 : index
    %swap3A_40 = arith.constant 0 : index
    %swap3A_41 = arith.constant 0 : index
    %swap3A_42 = vector.load %arg6[%swap3A, %swap3A_40, %swap3A_41] : memref<64x32x64xf32, #tpu.memory_space<vmem>>, vector<64x32x64xf32>
    tpu.vector_store %arg6[%swap3A, %swap3A_40, %swap3A_41], %add3A_39 {strides = array<i32>} : memref<64x32x64xf32, #tpu.memory_space<vmem>>, vector<64x32x64xf32>,
    %eq3A = arith.constant 0 : i32
    %eq3A_43 = arith.cmpi eq, %arg0, %eq3A : i32
    %convert_element_type3A = arith.extui %eq3A_43 : i1 to i32
    %cond3A = arith.constant 0 : i32
    %cond3A_44 = arith.cmpi ne, %convert_element_type3A, %cond3A : i32
    scf.if %cond3A_44 {
      %broadcast_in_dim3A_65 = arith.constant 0.000000e+00 : f32
      %broadcast_in_dim3A_66 = vector.broadcast %broadcast_in_dim3A_65 : f32 to vector<1x64xf32>
      %swap3A_67 = arith.constant 0 : index
      %swap3A_68 = arith.constant 0 : index
      %swap3A_69 = vector.load %arg7[%swap3A_67, %swap3A_68] : memref<1x64xf32, #tpu.memory_space<vmem>>, vector<1x64xf32>
      tpu.vector_store %arg7[%swap3A_67, %swap3A_68], %broadcast_in_dim3A_66 {strides = array<i32>} : memref<1x64xf32, #tpu.memory_space<vmem>>, vector<1x64xf32>,
      %broadcast_in_dim3A_70 = arith.constant 0.000000e+00 : f32
      %broadcast_in_dim3A_71 = vector.broadcast %broadcast_in_dim3A_70 : f32 to vector<1x64xf32>
      %swap3A_72 = arith.constant 0 : index
      %swap3A_73 = arith.constant 0 : index
      %swap3A_74 = vector.load %arg8[%swap3A_72, %swap3A_73] : memref<1x64xf32, #tpu.memory_space<vmem>>, vector<1x64xf32>
      tpu.vector_store %arg8[%swap3A_72, %swap3A_73], %broadcast_in_dim3A_71 {strides = array<i32>} : memref<1x64xf32, #tpu.memory_space<vmem>>, vector<1x64xf32>,
    } else {
    }
    %get3A_45 = arith.constant 0 : index
    %get3A_46 = arith.constant 0 : index
    %get3A_47 = vector.load %arg7[%get3A_45, %get3A_46] : memref<1x64xf32, #tpu.memory_space<vmem>>, vector<1x64xf32>
    %reduce_sum3A = arith.constant dense<0.000000e+00> : vector<64xf32>
    %reduce_sum3A_48 = vector.multi_reduction <add>, %add3A_39, %reduce_sum3A [0, 1] : vector<64x32x64xf32> to vector<64xf32>
    %broadcast_in_dim3A_49 = vector.shape_cast %reduce_sum3A_48 : vector<64xf32> to vector<1x64xf32>
    %add3A_50 = arith.addf %get3A_47, %broadcast_in_dim3A_49 : vector<1x64xf32>
    %swap3A_51 = arith.constant 0 : index
    %swap3A_52 = arith.constant 0 : index
    %swap3A_53 = vector.load %arg7[%swap3A_51, %swap3A_52] : memref<1x64xf32, #tpu.memory_space<vmem>>, vector<1x64xf32>
    tpu.vector_store %arg7[%swap3A_51, %swap3A_52], %add3A_50 {strides = array<i32>} : memref<1x64xf32, #tpu.memory_space<vmem>>, vector<1x64xf32>,
    %get3A_54 = arith.constant 0 : index
    %get3A_55 = arith.constant 0 : index
    %get3A_56 = vector.load %arg8[%get3A_54, %get3A_55] : memref<1x64xf32, #tpu.memory_space<vmem>>, vector<1x64xf32>
    %mul3A_57 = arith.mulf %add3A_39, %add3A_39 : vector<64x32x64xf32>
    %reduce_sum3A_58 = arith.constant dense<0.000000e+00> : vector<64xf32>
    %reduce_sum3A_59 = vector.multi_reduction <add>, %mul3A_57, %reduce_sum3A_58 [0, 1] : vector<64x32x64xf32> to vector<64xf32>
    %broadcast_in_dim3A_60 = vector.shape_cast %reduce_sum3A_59 : vector<64xf32> to vector<1x64xf32>
    %add3A_61 = arith.addf %get3A_56, %broadcast_in_dim3A_60 : vector<1x64xf32>
    %swap3A_62 = arith.constant 0 : index
    %swap3A_63 = arith.constant 0 : index
    %swap3A_64 = vector.load %arg8[%swap3A_62, %swap3A_63] : memref<1x64xf32, #tpu.memory_space<vmem>>, vector<1x64xf32>
    tpu.vector_store %arg8[%swap3A_62, %swap3A_63], %add3A_61 {strides = array<i32>} : memref<1x64xf32, #tpu.memory_space<vmem>>, vector<1x64xf32>,
    return
  }
  func.func @transform_0(%arg0: i32) -> (i32, i32) {
    %c0_i32 = arith.constant 0 : i32
    %c0_i32_0 = arith.constant 0 : i32
    return %arg0, %c0_i32 : i32, i32
  }
  func.func @transform_1(%arg0: i32) -> (i32, i32) {
    %c0_i32 = arith.constant 0 : i32
    %c0_i32_0 = arith.constant 0 : i32
    return %arg0, %c0_i32 : i32, i32
  }
  func.func @transform_2(%arg0: i32) -> (i32, i32) {
    %c0_i32 = arith.constant 0 : i32
    %c0_i32_0 = arith.constant 0 : i32
    return %arg0, %c0_i32 : i32, i32
  }
  func.func @transform_3(%arg0: i32) -> (i32, i32) {
    %c0_i32 = arith.constant 0 : i32
    %c0_i32_0 = arith.constant 0 : i32
    %c0_i32_1 = arith.constant 0 : i32
    return %c0_i32, %c0_i32_0 : i32, i32
  }
  func.func @transform_4(%arg0: i32) -> (i32, i32) {
    %c0_i32 = arith.constant 0 : i32
    %c0_i32_0 = arith.constant 0 : i32
    %c0_i32_1 = arith.constant 0 : i32
    return %c0_i32, %c0_i32_0 : i32, i32
  }
  func.func @transform_5(%arg0: i32) -> (i32, i32, i32) {
    %c0_i32 = arith.constant 0 : i32
    %c0_i32_0 = arith.constant 0 : i32
    %c0_i32_1 = arith.constant 0 : i32
    return %arg0, %c0_i32, %c0_i32_0 : i32, i32, i32
  }
  func.func @transform_6(%arg0: i32) -> (i32, i32) {
    %c0_i32 = arith.constant 0 : i32
    %c0_i32_0 = arith.constant 0 : i32
    %c0_i32_1 = arith.constant 0 : i32
    return %c0_i32, %c0_i32_0 : i32, i32
  }
  func.func @transform_7(%arg0: i32) -> (i32, i32) {
    %c0_i32 = arith.constant 0 : i32
    %c0_i32_0 = arith.constant 0 : i32
    %c0_i32_1 = arith.constant 0 : i32
    return %c0_i32, %c0_i32_0 : i32, i32
  }
}

module attributes {stable_mosaic.version = 14 : i64} {
  func.func @_mlp2_body(%arg0: i32, %arg1: memref<4096x64xf32, #tpu.memory_space<vmem>>, %arg2: memref<1x64xf32, #tpu.memory_space<vmem>>, %arg3: memref<1x64xf32, #tpu.memory_space<vmem>>, %arg4: memref<64x128xf32, #tpu.memory_space<vmem>>, %arg5: memref<1x128xf32, #tpu.memory_space<vmem>>, %arg6: memref<4096x128xf32, #tpu.memory_space<vmem>>, %arg7: memref<1x128xf32, #tpu.memory_space<vmem>>, %arg8: memref<1x128xf32, #tpu.memory_space<vmem>>) attributes {dimension_semantics = [#tpu.dimension_semantics<arbitrary>], iteration_bounds = array<i64: 16>, scalar_prefetch = 0 : i64, scratch_operands = 0 : i64, tpu.core_type = #tpu.core_type<tc>, window_params = [{transform_indices = @transform_0, window_bounds = array<i64: 4096, 64>}, {pipeline_mode = #tpu.pipeline_mode<synchronous>, transform_indices = @transform_1, window_bounds = array<i64: 1, 64>}, {pipeline_mode = #tpu.pipeline_mode<synchronous>, transform_indices = @transform_2, window_bounds = array<i64: 1, 64>}, {pipeline_mode = #tpu.pipeline_mode<synchronous>, transform_indices = @transform_3, window_bounds = array<i64: 64, 128>}, {pipeline_mode = #tpu.pipeline_mode<synchronous>, transform_indices = @transform_4, window_bounds = array<i64: 1, 128>}, {transform_indices = @transform_5, window_bounds = array<i64: 4096, 128>}, {pipeline_mode = #tpu.pipeline_mode<synchronous>, transform_indices = @transform_6, window_bounds = array<i64: 1, 128>}, {pipeline_mode = #tpu.pipeline_mode<synchronous>, transform_indices = @transform_7, window_bounds = array<i64: 1, 128>}]} {
    %get3A = arith.constant 0 : index
    %get3A_0 = arith.constant 0 : index
    %get3A_1 = vector.load %arg1[%get3A, %get3A_0] : memref<4096x64xf32, #tpu.memory_space<vmem>>, vector<4096x64xf32>
    %get3A_2 = arith.constant 0 : index
    %get3A_3 = arith.constant 0 : index
    %get3A_4 = vector.load %arg2[%get3A_2, %get3A_3] : memref<1x64xf32, #tpu.memory_space<vmem>>, vector<1x64xf32>
    %mul3A = vector.broadcast %get3A_4 : vector<1x64xf32> to vector<4096x64xf32>
    %mul3A_5 = arith.mulf %get3A_1, %mul3A : vector<4096x64xf32>
    %get3A_6 = arith.constant 0 : index
    %get3A_7 = arith.constant 0 : index
    %get3A_8 = vector.load %arg3[%get3A_6, %get3A_7] : memref<1x64xf32, #tpu.memory_space<vmem>>, vector<1x64xf32>
    %add3A = vector.broadcast %get3A_8 : vector<1x64xf32> to vector<4096x64xf32>
    %add3A_9 = arith.addf %mul3A_5, %add3A : vector<4096x64xf32>
    %max3A = arith.constant 0.000000e+00 : f32
    %max3A_10 = vector.broadcast %max3A : f32 to vector<4096x64xf32>
    %max3A_11 = arith.maximumf %add3A_9, %max3A_10 : vector<4096x64xf32>
    %get3A_12 = arith.constant 0 : index
    %get3A_13 = arith.constant 0 : index
    %get3A_14 = vector.load %arg4[%get3A_12, %get3A_13] : memref<64x128xf32, #tpu.memory_space<vmem>>, vector<64x128xf32>
    %dot_general3A = arith.constant dense<0.000000e+00> : vector<4096x128xf32>
    %dot_general3A_15 = tpu.matmul %max3A_11, %get3A_14, %dot_general3A {dimension_numbers = #tpu.dot_dimension_numbers<[1], [0], [0], [1], [0, 0, 1, 1], [], []>, transpose_lhs_hint = false} : vector<4096x64xf32>, vector<64x128xf32>, vector<4096x128xf32> -> vector<4096x128xf32>
    %get3A_16 = arith.constant 0 : index
    %get3A_17 = arith.constant 0 : index
    %get3A_18 = vector.load %arg5[%get3A_16, %get3A_17] : memref<1x128xf32, #tpu.memory_space<vmem>>, vector<1x128xf32>
    %add3A_19 = vector.broadcast %get3A_18 : vector<1x128xf32> to vector<4096x128xf32>
    %add3A_20 = arith.addf %dot_general3A_15, %add3A_19 : vector<4096x128xf32>
    %swap3A = arith.constant 0 : index
    %swap3A_21 = arith.constant 0 : index
    %swap3A_22 = vector.load %arg6[%swap3A, %swap3A_21] : memref<4096x128xf32, #tpu.memory_space<vmem>>, vector<4096x128xf32>
    tpu.vector_store %arg6[%swap3A, %swap3A_21], %add3A_20 {strides = array<i32>} : memref<4096x128xf32, #tpu.memory_space<vmem>>, vector<4096x128xf32>,
    %eq3A = arith.constant 0 : i32
    %eq3A_23 = arith.cmpi eq, %arg0, %eq3A : i32
    %convert_element_type3A = arith.extui %eq3A_23 : i1 to i32
    %cond3A = arith.constant 0 : i32
    %cond3A_24 = arith.cmpi ne, %convert_element_type3A, %cond3A : i32
    scf.if %cond3A_24 {
      %broadcast_in_dim3A_44 = arith.constant 0.000000e+00 : f32
      %broadcast_in_dim3A_45 = vector.broadcast %broadcast_in_dim3A_44 : f32 to vector<1x128xf32>
      %swap3A_46 = arith.constant 0 : index
      %swap3A_47 = arith.constant 0 : index
      %swap3A_48 = vector.load %arg7[%swap3A_46, %swap3A_47] : memref<1x128xf32, #tpu.memory_space<vmem>>, vector<1x128xf32>
      tpu.vector_store %arg7[%swap3A_46, %swap3A_47], %broadcast_in_dim3A_45 {strides = array<i32>} : memref<1x128xf32, #tpu.memory_space<vmem>>, vector<1x128xf32>,
      %broadcast_in_dim3A_49 = arith.constant 0.000000e+00 : f32
      %broadcast_in_dim3A_50 = vector.broadcast %broadcast_in_dim3A_49 : f32 to vector<1x128xf32>
      %swap3A_51 = arith.constant 0 : index
      %swap3A_52 = arith.constant 0 : index
      %swap3A_53 = vector.load %arg8[%swap3A_51, %swap3A_52] : memref<1x128xf32, #tpu.memory_space<vmem>>, vector<1x128xf32>
      tpu.vector_store %arg8[%swap3A_51, %swap3A_52], %broadcast_in_dim3A_50 {strides = array<i32>} : memref<1x128xf32, #tpu.memory_space<vmem>>, vector<1x128xf32>,
    } else {
    }
    %get3A_25 = arith.constant 0 : index
    %get3A_26 = arith.constant 0 : index
    %get3A_27 = vector.load %arg7[%get3A_25, %get3A_26] : memref<1x128xf32, #tpu.memory_space<vmem>>, vector<1x128xf32>
    %reduce_sum3A = arith.constant dense<0.000000e+00> : vector<128xf32>
    %reduce_sum3A_28 = vector.multi_reduction <add>, %add3A_20, %reduce_sum3A [0] : vector<4096x128xf32> to vector<128xf32>
    %broadcast_in_dim3A = vector.shape_cast %reduce_sum3A_28 : vector<128xf32> to vector<1x128xf32>
    %add3A_29 = arith.addf %get3A_27, %broadcast_in_dim3A : vector<1x128xf32>
    %swap3A_30 = arith.constant 0 : index
    %swap3A_31 = arith.constant 0 : index
    %swap3A_32 = vector.load %arg7[%swap3A_30, %swap3A_31] : memref<1x128xf32, #tpu.memory_space<vmem>>, vector<1x128xf32>
    tpu.vector_store %arg7[%swap3A_30, %swap3A_31], %add3A_29 {strides = array<i32>} : memref<1x128xf32, #tpu.memory_space<vmem>>, vector<1x128xf32>,
    %get3A_33 = arith.constant 0 : index
    %get3A_34 = arith.constant 0 : index
    %get3A_35 = vector.load %arg8[%get3A_33, %get3A_34] : memref<1x128xf32, #tpu.memory_space<vmem>>, vector<1x128xf32>
    %mul3A_36 = arith.mulf %add3A_20, %add3A_20 : vector<4096x128xf32>
    %reduce_sum3A_37 = arith.constant dense<0.000000e+00> : vector<128xf32>
    %reduce_sum3A_38 = vector.multi_reduction <add>, %mul3A_36, %reduce_sum3A_37 [0] : vector<4096x128xf32> to vector<128xf32>
    %broadcast_in_dim3A_39 = vector.shape_cast %reduce_sum3A_38 : vector<128xf32> to vector<1x128xf32>
    %add3A_40 = arith.addf %get3A_35, %broadcast_in_dim3A_39 : vector<1x128xf32>
    %swap3A_41 = arith.constant 0 : index
    %swap3A_42 = arith.constant 0 : index
    %swap3A_43 = vector.load %arg8[%swap3A_41, %swap3A_42] : memref<1x128xf32, #tpu.memory_space<vmem>>, vector<1x128xf32>
    tpu.vector_store %arg8[%swap3A_41, %swap3A_42], %add3A_40 {strides = array<i32>} : memref<1x128xf32, #tpu.memory_space<vmem>>, vector<1x128xf32>,
    return
  }
  func.func @transform_0(%arg0: i32) -> (i32, i32) {
    %c0_i32 = arith.constant 0 : i32
    %c0_i32_0 = arith.constant 0 : i32
    return %arg0, %c0_i32 : i32, i32
  }
  func.func @transform_1(%arg0: i32) -> (i32, i32) {
    %c0_i32 = arith.constant 0 : i32
    %c0_i32_0 = arith.constant 0 : i32
    %c0_i32_1 = arith.constant 0 : i32
    return %c0_i32, %c0_i32_0 : i32, i32
  }
  func.func @transform_2(%arg0: i32) -> (i32, i32) {
    %c0_i32 = arith.constant 0 : i32
    %c0_i32_0 = arith.constant 0 : i32
    %c0_i32_1 = arith.constant 0 : i32
    return %c0_i32, %c0_i32_0 : i32, i32
  }
  func.func @transform_3(%arg0: i32) -> (i32, i32) {
    %c0_i32 = arith.constant 0 : i32
    %c0_i32_0 = arith.constant 0 : i32
    %c0_i32_1 = arith.constant 0 : i32
    return %c0_i32, %c0_i32_0 : i32, i32
  }
  func.func @transform_4(%arg0: i32) -> (i32, i32) {
    %c0_i32 = arith.constant 0 : i32
    %c0_i32_0 = arith.constant 0 : i32
    %c0_i32_1 = arith.constant 0 : i32
    return %c0_i32, %c0_i32_0 : i32, i32
  }
  func.func @transform_5(%arg0: i32) -> (i32, i32) {
    %c0_i32 = arith.constant 0 : i32
    %c0_i32_0 = arith.constant 0 : i32
    return %arg0, %c0_i32 : i32, i32
  }
  func.func @transform_6(%arg0: i32) -> (i32, i32) {
    %c0_i32 = arith.constant 0 : i32
    %c0_i32_0 = arith.constant 0 : i32
    %c0_i32_1 = arith.constant 0 : i32
    return %c0_i32, %c0_i32_0 : i32, i32
  }
  func.func @transform_7(%arg0: i32) -> (i32, i32) {
    %c0_i32 = arith.constant 0 : i32
    %c0_i32_0 = arith.constant 0 : i32
    %c0_i32_1 = arith.constant 0 : i32
    return %c0_i32, %c0_i32_0 : i32, i32
  }
}

module attributes {stable_mosaic.version = 14 : i64} {
  func.func @_mlp3_body(%arg0: i32, %arg1: memref<4096x128xf32, #tpu.memory_space<vmem>>, %arg2: memref<1x128xf32, #tpu.memory_space<vmem>>, %arg3: memref<1x128xf32, #tpu.memory_space<vmem>>, %arg4: memref<128x384xf32, #tpu.memory_space<vmem>>, %arg5: memref<1x384xf32, #tpu.memory_space<vmem>>, %arg6: memref<4096x128xf32, #tpu.memory_space<vmem>>, %arg7: memref<1x384xf32, #tpu.memory_space<vmem>>, %arg8: memref<1x384xf32, #tpu.memory_space<vmem>>) attributes {dimension_semantics = [#tpu.dimension_semantics<arbitrary>], iteration_bounds = array<i64: 16>, scalar_prefetch = 0 : i64, scratch_operands = 0 : i64, tpu.core_type = #tpu.core_type<tc>, window_params = [{transform_indices = @transform_0, window_bounds = array<i64: 4096, 128>}, {pipeline_mode = #tpu.pipeline_mode<synchronous>, transform_indices = @transform_1, window_bounds = array<i64: 1, 128>}, {pipeline_mode = #tpu.pipeline_mode<synchronous>, transform_indices = @transform_2, window_bounds = array<i64: 1, 128>}, {pipeline_mode = #tpu.pipeline_mode<synchronous>, transform_indices = @transform_3, window_bounds = array<i64: 128, 384>}, {pipeline_mode = #tpu.pipeline_mode<synchronous>, transform_indices = @transform_4, window_bounds = array<i64: 1, 384>}, {transform_indices = @transform_5, window_bounds = array<i64: 4096, 128>}, {pipeline_mode = #tpu.pipeline_mode<synchronous>, transform_indices = @transform_6, window_bounds = array<i64: 1, 384>}, {pipeline_mode = #tpu.pipeline_mode<synchronous>, transform_indices = @transform_7, window_bounds = array<i64: 1, 384>}]} {
    %get3A = arith.constant 0 : index
    %get3A_0 = arith.constant 0 : index
    %get3A_1 = vector.load %arg1[%get3A, %get3A_0] : memref<4096x128xf32, #tpu.memory_space<vmem>>, vector<4096x128xf32>
    %get3A_2 = arith.constant 0 : index
    %get3A_3 = arith.constant 0 : index
    %get3A_4 = vector.load %arg2[%get3A_2, %get3A_3] : memref<1x128xf32, #tpu.memory_space<vmem>>, vector<1x128xf32>
    %mul3A = vector.broadcast %get3A_4 : vector<1x128xf32> to vector<4096x128xf32>
    %mul3A_5 = arith.mulf %get3A_1, %mul3A : vector<4096x128xf32>
    %get3A_6 = arith.constant 0 : index
    %get3A_7 = arith.constant 0 : index
    %get3A_8 = vector.load %arg3[%get3A_6, %get3A_7] : memref<1x128xf32, #tpu.memory_space<vmem>>, vector<1x128xf32>
    %add3A = vector.broadcast %get3A_8 : vector<1x128xf32> to vector<4096x128xf32>
    %add3A_9 = arith.addf %mul3A_5, %add3A : vector<4096x128xf32>
    %max3A = arith.constant 0.000000e+00 : f32
    %max3A_10 = vector.broadcast %max3A : f32 to vector<4096x128xf32>
    %max3A_11 = arith.maximumf %add3A_9, %max3A_10 : vector<4096x128xf32>
    %swap3A = arith.constant 0 : index
    %swap3A_12 = arith.constant 0 : index
    %swap3A_13 = vector.load %arg6[%swap3A, %swap3A_12] : memref<4096x128xf32, #tpu.memory_space<vmem>>, vector<4096x128xf32>
    tpu.vector_store %arg6[%swap3A, %swap3A_12], %max3A_11 {strides = array<i32>} : memref<4096x128xf32, #tpu.memory_space<vmem>>, vector<4096x128xf32>,
    %get3A_14 = arith.constant 0 : index
    %get3A_15 = arith.constant 0 : index
    %get3A_16 = vector.load %arg4[%get3A_14, %get3A_15] : memref<128x384xf32, #tpu.memory_space<vmem>>, vector<128x384xf32>
    %dot_general3A = arith.constant dense<0.000000e+00> : vector<4096x384xf32>
    %dot_general3A_17 = tpu.matmul %max3A_11, %get3A_16, %dot_general3A {dimension_numbers = #tpu.dot_dimension_numbers<[1], [0], [0], [1], [0, 0, 1, 1], [], []>, transpose_lhs_hint = false} : vector<4096x128xf32>, vector<128x384xf32>, vector<4096x384xf32> -> vector<4096x384xf32>
    %get3A_18 = arith.constant 0 : index
    %get3A_19 = arith.constant 0 : index
    %get3A_20 = vector.load %arg5[%get3A_18, %get3A_19] : memref<1x384xf32, #tpu.memory_space<vmem>>, vector<1x384xf32>
    %add3A_21 = vector.broadcast %get3A_20 : vector<1x384xf32> to vector<4096x384xf32>
    %add3A_22 = arith.addf %dot_general3A_17, %add3A_21 : vector<4096x384xf32>
    %eq3A = arith.constant 0 : i32
    %eq3A_23 = arith.cmpi eq, %arg0, %eq3A : i32
    %convert_element_type3A = arith.extui %eq3A_23 : i1 to i32
    %cond3A = arith.constant 0 : i32
    %cond3A_24 = arith.cmpi ne, %convert_element_type3A, %cond3A : i32
    scf.if %cond3A_24 {
      %broadcast_in_dim3A_44 = arith.constant 0.000000e+00 : f32
      %broadcast_in_dim3A_45 = vector.broadcast %broadcast_in_dim3A_44 : f32 to vector<1x384xf32>
      %swap3A_46 = arith.constant 0 : index
      %swap3A_47 = arith.constant 0 : index
      %swap3A_48 = vector.load %arg7[%swap3A_46, %swap3A_47] : memref<1x384xf32, #tpu.memory_space<vmem>>, vector<1x384xf32>
      tpu.vector_store %arg7[%swap3A_46, %swap3A_47], %broadcast_in_dim3A_45 {strides = array<i32>} : memref<1x384xf32, #tpu.memory_space<vmem>>, vector<1x384xf32>,
      %broadcast_in_dim3A_49 = arith.constant 0.000000e+00 : f32
      %broadcast_in_dim3A_50 = vector.broadcast %broadcast_in_dim3A_49 : f32 to vector<1x384xf32>
      %swap3A_51 = arith.constant 0 : index
      %swap3A_52 = arith.constant 0 : index
      %swap3A_53 = vector.load %arg8[%swap3A_51, %swap3A_52] : memref<1x384xf32, #tpu.memory_space<vmem>>, vector<1x384xf32>
      tpu.vector_store %arg8[%swap3A_51, %swap3A_52], %broadcast_in_dim3A_50 {strides = array<i32>} : memref<1x384xf32, #tpu.memory_space<vmem>>, vector<1x384xf32>,
    } else {
    }
    %get3A_25 = arith.constant 0 : index
    %get3A_26 = arith.constant 0 : index
    %get3A_27 = vector.load %arg7[%get3A_25, %get3A_26] : memref<1x384xf32, #tpu.memory_space<vmem>>, vector<1x384xf32>
    %reduce_sum3A = arith.constant dense<0.000000e+00> : vector<384xf32>
    %reduce_sum3A_28 = vector.multi_reduction <add>, %add3A_22, %reduce_sum3A [0] : vector<4096x384xf32> to vector<384xf32>
    %broadcast_in_dim3A = vector.shape_cast %reduce_sum3A_28 : vector<384xf32> to vector<1x384xf32>
    %add3A_29 = arith.addf %get3A_27, %broadcast_in_dim3A : vector<1x384xf32>
    %swap3A_30 = arith.constant 0 : index
    %swap3A_31 = arith.constant 0 : index
    %swap3A_32 = vector.load %arg7[%swap3A_30, %swap3A_31] : memref<1x384xf32, #tpu.memory_space<vmem>>, vector<1x384xf32>
    tpu.vector_store %arg7[%swap3A_30, %swap3A_31], %add3A_29 {strides = array<i32>} : memref<1x384xf32, #tpu.memory_space<vmem>>, vector<1x384xf32>,
    %get3A_33 = arith.constant 0 : index
    %get3A_34 = arith.constant 0 : index
    %get3A_35 = vector.load %arg8[%get3A_33, %get3A_34] : memref<1x384xf32, #tpu.memory_space<vmem>>, vector<1x384xf32>
    %mul3A_36 = arith.mulf %add3A_22, %add3A_22 : vector<4096x384xf32>
    %reduce_sum3A_37 = arith.constant dense<0.000000e+00> : vector<384xf32>
    %reduce_sum3A_38 = vector.multi_reduction <add>, %mul3A_36, %reduce_sum3A_37 [0] : vector<4096x384xf32> to vector<384xf32>
    %broadcast_in_dim3A_39 = vector.shape_cast %reduce_sum3A_38 : vector<384xf32> to vector<1x384xf32>
    %add3A_40 = arith.addf %get3A_35, %broadcast_in_dim3A_39 : vector<1x384xf32>
    %swap3A_41 = arith.constant 0 : index
    %swap3A_42 = arith.constant 0 : index
    %swap3A_43 = vector.load %arg8[%swap3A_41, %swap3A_42] : memref<1x384xf32, #tpu.memory_space<vmem>>, vector<1x384xf32>
    tpu.vector_store %arg8[%swap3A_41, %swap3A_42], %add3A_40 {strides = array<i32>} : memref<1x384xf32, #tpu.memory_space<vmem>>, vector<1x384xf32>,
    return
  }
  func.func @transform_0(%arg0: i32) -> (i32, i32) {
    %c0_i32 = arith.constant 0 : i32
    %c0_i32_0 = arith.constant 0 : i32
    return %arg0, %c0_i32 : i32, i32
  }
  func.func @transform_1(%arg0: i32) -> (i32, i32) {
    %c0_i32 = arith.constant 0 : i32
    %c0_i32_0 = arith.constant 0 : i32
    %c0_i32_1 = arith.constant 0 : i32
    return %c0_i32, %c0_i32_0 : i32, i32
  }
  func.func @transform_2(%arg0: i32) -> (i32, i32) {
    %c0_i32 = arith.constant 0 : i32
    %c0_i32_0 = arith.constant 0 : i32
    %c0_i32_1 = arith.constant 0 : i32
    return %c0_i32, %c0_i32_0 : i32, i32
  }
  func.func @transform_3(%arg0: i32) -> (i32, i32) {
    %c0_i32 = arith.constant 0 : i32
    %c0_i32_0 = arith.constant 0 : i32
    %c0_i32_1 = arith.constant 0 : i32
    return %c0_i32, %c0_i32_0 : i32, i32
  }
  func.func @transform_4(%arg0: i32) -> (i32, i32) {
    %c0_i32 = arith.constant 0 : i32
    %c0_i32_0 = arith.constant 0 : i32
    %c0_i32_1 = arith.constant 0 : i32
    return %c0_i32, %c0_i32_0 : i32, i32
  }
  func.func @transform_5(%arg0: i32) -> (i32, i32) {
    %c0_i32 = arith.constant 0 : i32
    %c0_i32_0 = arith.constant 0 : i32
    return %arg0, %c0_i32 : i32, i32
  }
  func.func @transform_6(%arg0: i32) -> (i32, i32) {
    %c0_i32 = arith.constant 0 : i32
    %c0_i32_0 = arith.constant 0 : i32
    %c0_i32_1 = arith.constant 0 : i32
    return %c0_i32, %c0_i32_0 : i32, i32
  }
  func.func @transform_7(%arg0: i32) -> (i32, i32) {
    %c0_i32 = arith.constant 0 : i32
    %c0_i32_0 = arith.constant 0 : i32
    %c0_i32_1 = arith.constant 0 : i32
    return %c0_i32, %c0_i32_0 : i32, i32
  }
}

module attributes {stable_mosaic.version = 14 : i64} {
  func.func @_mlp4_body(%arg0: i32, %arg1: memref<4096x128xf32, #tpu.memory_space<vmem>>, %arg2: memref<1x384xf32, #tpu.memory_space<vmem>>, %arg3: memref<1x384xf32, #tpu.memory_space<vmem>>, %arg4: memref<128x384xf32, #tpu.memory_space<vmem>>, %arg5: memref<1x384xf32, #tpu.memory_space<vmem>>, %arg6: memref<128x384xf32, #tpu.memory_space<vmem>>) attributes {dimension_semantics = [#tpu.dimension_semantics<arbitrary>], iteration_bounds = array<i64: 16>, scalar_prefetch = 0 : i64, scratch_operands = 0 : i64, tpu.core_type = #tpu.core_type<tc>, window_params = [{transform_indices = @transform_0, window_bounds = array<i64: 4096, 128>}, {pipeline_mode = #tpu.pipeline_mode<synchronous>, transform_indices = @transform_1, window_bounds = array<i64: 1, 384>}, {pipeline_mode = #tpu.pipeline_mode<synchronous>, transform_indices = @transform_2, window_bounds = array<i64: 1, 384>}, {pipeline_mode = #tpu.pipeline_mode<synchronous>, transform_indices = @transform_3, window_bounds = array<i64: 128, 384>}, {pipeline_mode = #tpu.pipeline_mode<synchronous>, transform_indices = @transform_4, window_bounds = array<i64: 1, 384>}, {transform_indices = @transform_5, window_bounds = array<i64: 128, 384>}]} {
    %get3A = arith.constant 0 : index
    %get3A_0 = arith.constant 0 : index
    %get3A_1 = vector.load %arg1[%get3A, %get3A_0] : memref<4096x128xf32, #tpu.memory_space<vmem>>, vector<4096x128xf32>
    %get3A_2 = arith.constant 0 : index
    %get3A_3 = arith.constant 0 : index
    %get3A_4 = vector.load %arg4[%get3A_2, %get3A_3] : memref<128x384xf32, #tpu.memory_space<vmem>>, vector<128x384xf32>
    %dot_general3A = arith.constant dense<0.000000e+00> : vector<4096x384xf32>
    %dot_general3A_5 = tpu.matmul %get3A_1, %get3A_4, %dot_general3A {dimension_numbers = #tpu.dot_dimension_numbers<[1], [0], [0], [1], [0, 0, 1, 1], [], []>, transpose_lhs_hint = false} : vector<4096x128xf32>, vector<128x384xf32>, vector<4096x384xf32> -> vector<4096x384xf32>
    %get3A_6 = arith.constant 0 : index
    %get3A_7 = arith.constant 0 : index
    %get3A_8 = vector.load %arg5[%get3A_6, %get3A_7] : memref<1x384xf32, #tpu.memory_space<vmem>>, vector<1x384xf32>
    %add3A = vector.broadcast %get3A_8 : vector<1x384xf32> to vector<4096x384xf32>
    %add3A_9 = arith.addf %dot_general3A_5, %add3A : vector<4096x384xf32>
    %get3A_10 = arith.constant 0 : index
    %get3A_11 = arith.constant 0 : index
    %get3A_12 = vector.load %arg2[%get3A_10, %get3A_11] : memref<1x384xf32, #tpu.memory_space<vmem>>, vector<1x384xf32>
    %mul3A = vector.broadcast %get3A_12 : vector<1x384xf32> to vector<4096x384xf32>
    %mul3A_13 = arith.mulf %add3A_9, %mul3A : vector<4096x384xf32>
    %get3A_14 = arith.constant 0 : index
    %get3A_15 = arith.constant 0 : index
    %get3A_16 = vector.load %arg3[%get3A_14, %get3A_15] : memref<1x384xf32, #tpu.memory_space<vmem>>, vector<1x384xf32>
    %add3A_17 = vector.broadcast %get3A_16 : vector<1x384xf32> to vector<4096x384xf32>
    %add3A_18 = arith.addf %mul3A_13, %add3A_17 : vector<4096x384xf32>
    %max3A = arith.constant 0.000000e+00 : f32
    %max3A_19 = vector.broadcast %max3A : f32 to vector<4096x384xf32>
    %max3A_20 = arith.maximumf %add3A_18, %max3A_19 : vector<4096x384xf32>
    %reshape3A = vector.shape_cast %max3A_20 : vector<4096x384xf32> to vector<128x32x384xf32>
    %reduce_max3A = arith.constant dense<0xFF800000> : vector<128x384xf32>
    %reduce_max3A_21 = vector.multi_reduction <maximumf>, %reshape3A, %reduce_max3A [1] : vector<128x32x384xf32> to vector<128x384xf32>
    %swap3A = arith.constant 0 : index
    %swap3A_22 = arith.constant 0 : index
    %swap3A_23 = vector.load %arg6[%swap3A, %swap3A_22] : memref<128x384xf32, #tpu.memory_space<vmem>>, vector<128x384xf32>
    tpu.vector_store %arg6[%swap3A, %swap3A_22], %reduce_max3A_21 {strides = array<i32>} : memref<128x384xf32, #tpu.memory_space<vmem>>, vector<128x384xf32>,
    return
  }
  func.func @transform_0(%arg0: i32) -> (i32, i32) {
    %c0_i32 = arith.constant 0 : i32
    %c0_i32_0 = arith.constant 0 : i32
    return %arg0, %c0_i32 : i32, i32
  }
  func.func @transform_1(%arg0: i32) -> (i32, i32) {
    %c0_i32 = arith.constant 0 : i32
    %c0_i32_0 = arith.constant 0 : i32
    %c0_i32_1 = arith.constant 0 : i32
    return %c0_i32, %c0_i32_0 : i32, i32
  }
  func.func @transform_2(%arg0: i32) -> (i32, i32) {
    %c0_i32 = arith.constant 0 : i32
    %c0_i32_0 = arith.constant 0 : i32
    %c0_i32_1 = arith.constant 0 : i32
    return %c0_i32, %c0_i32_0 : i32, i32
  }
  func.func @transform_3(%arg0: i32) -> (i32, i32) {
    %c0_i32 = arith.constant 0 : i32
    %c0_i32_0 = arith.constant 0 : i32
    %c0_i32_1 = arith.constant 0 : i32
    return %c0_i32, %c0_i32_0 : i32, i32
  }
  func.func @transform_4(%arg0: i32) -> (i32, i32) {
    %c0_i32 = arith.constant 0 : i32
    %c0_i32_0 = arith.constant 0 : i32
    %c0_i32_1 = arith.constant 0 : i32
    return %c0_i32, %c0_i32_0 : i32, i32
  }
  func.func @transform_5(%arg0: i32) -> (i32, i32) {
    %c0_i32 = arith.constant 0 : i32
    %c0_i32_0 = arith.constant 0 : i32
    return %arg0, %c0_i32 : i32, i32
  }
}

</mosaic_0001>

<sc_bundles>
// kernel: kernel.9.cloned.1.call-start
scs
__scs_entry_jumppad:
0x0: {  	(pc) =	sbr.rel $0x88, $3  }
0x1: {  	(tag) =	ssettag $0x0;
	lr =	simm.s32 $0x1  }
0x2: {  	[smem:$0x3F94] =	sst lr;
	_ =	strace $0xD0000000  }
0x3: {  	_ = 	snop  }
0x4: {  	_ = 	snop  }
0x5: {  	_ = 	snop  }
0x6: {  	_ = 	snop  }
0x7: {  	_ = 	snop  }
__scs_overlays_trampoline_lowered:
0x8: {  	[smem:$0x3FA3] =	sst s0  }
0x9: {  	[smem:$0x3FA4] =	sst s1  }
0xa: {  	[smem:$0x3FA5] =	sst s2  }
0xb: {  	[smem:$0x3FA6] =	sst s3  }
0xc: {  	[smem:$0x3FA7] =	sst s4  }
0xd: {  	[smem:$0x3FA8] =	sst s5  }
0xe: {  	[smem:$0x3FA9] =	sst s6  }
0xf: {  	[smem:$0x3FAA] =	sst s7  }
0x10: {  	[smem:$0x3FAB] =	sst s8  }
0x11: {  	[smem:$0x3FAC] =	sst s9;
	s0 =	simm.s32 @!p0 $0x0  }
0x12: {  	s1 =	sld [smem:$0x3F92];
	s0 =	simm.s32 @p0 $0x1  }
0x13: {  	[smem:$0x3FAD] =	sst s0;
	s0 =	simm.s32 @!p1 $0x0  }
0x14: {  	s2 =	sld [smem:$0x3F91];
	s0 =	simm.s32 @p1 $0x1  }
0x15: {  	[smem:$0x3FAE] =	sst s0;
	s0 =	simm.s32 @!p2 $0x0  }
0x16: {  	s3 =	sld [smem:$0x3FDB];
	s0 =	simm.s32 @p2 $0x1  }
0x17: {  	s4 =	simm.s32 $0x1BF5;
	[smem:$0x3FB0] =	sst s0  }
0x18: {  	s0 =	sld [smem:$0x3F93];
	_ =	swait.ge [sflag:s4], $0x0  }
0x19: {  	s7 =	sld [smem:$0x3F94]  }
0x1a: {  	s8 =	sadd.s32 $0xFFFFE003, lr  }
0x1b: {  	s9 =	sadd.s32 $0xFFFFFEF7, lr;
	s5 =	simm.s32 $0xFFFFFFFF;
	p2 =	slt.u32 s8, $0xFFFFF086  }
0x1c: {  	p1 =	slt.u32 s9, $0xF7A;
	s5 =	simm.s32 @!p2 $0x0  }
0x1d: {  	s5 =	simm.s32 @p1 $0x1;
	p0 =	seq.s32 s7, s2  }
0x1e: {  	s7 =	smul.u32 @!p0 $0xF7A, s2;
	p2 =	seq.s32 @!p0 s5, $0x0  }
0x1f: {  	s9 =	smul.u32 $0xF7A, s1;
	s8 =	simm.s32 @!p0 $0x1BF5;
	p2 =	por !p2, p0  }
0x20: {  	[sflag:s8] =	ssyncset.s32 @!p0 $0xFFFFF086;
	s6 =	sadd.s32 @!p0 s3, s7;
	s7 =	simm.s32 @!p0 $0x108  }
0x21: {  	s3 =	sadd.s32 s3, s9;
	s6 =	sadd.s32 @!p0 $0x88, s6;
	s7 =	simm.s32 @p2 $0x1082  }
0x22: {  	[simem:s7], [sflag:s8] =	dma.local @!p0 [hbm:s6], $0xF7A  }
0x23: {  	s9 =	sor.u32 $0xD0000000, s2;
	s6 =	simm.s32 $0x108;
	_ =	swait.ge @!p0 [sflag:s8], $0x0  }
0x24: {  	s3 =	sadd.s32 $0x88, s3;
	s6 =	simm.s32 @!p1 $0x1082;
	[sflag:s4] =	ssyncset.s32 $0xFFFFF086  }
0x25: {  	[simem:s6], [sflag:s4] =	dma.local [hbm:s3], $0xF7A  }
0x26: {  	[smem:$0x3F94] =	sst s1;
	(tag) =	ssettag s2;
	_ =	strace s9  }
0x27: {  	s1 =	sld [smem:$0x3FA4]  }
0x28: {  	s2 =	sld [smem:$0x3FA5]  }
0x29: {  	s4 =	sld [smem:$0x3FA7]  }
0x2a: {  	p0 =	seq.s32 s5, $0x0;
	s5 =	sld [smem:$0x3FA8]  }
0x2b: {  	s6 =	sld [smem:$0x3FA9]  }
0x2c: {  	s7 =	sld [smem:$0x3FAA]  }
0x2d: {  	s3 =	simm.s32 $0x108;
	s8 =	sld [smem:$0x3FAB]  }
0x2e: {  	s3 =	simm.s32 @!p0 $0x1082;
	s9 =	sld [smem:$0x3FAC]  }
0x2f: {  	lr =	sadd.s32 s0, s3;
	s0 =	sld [smem:$0x3FA3]  }
0x30: {  	s3 =	sld [smem:$0x3FA6]  }
0x31: {  	[smem:$0x3FAF] =	sst s10  }
0x32: {  	s10 =	sld [smem:$0x3FAD];
	_ =	sdelay $0x3  }
0x33: {  	p0 =	seq.s32 s10, $0x1;
	s10 =	sld [smem:$0x3FAF];
	_ =	sdelay $0x3  }
0x34: {  	[smem:$0x3FAF] =	sst s10  }
0x35: {  	s10 =	sld [smem:$0x3FAE];
	_ =	sdelay $0x3  }
0x36: {  	p1 =	seq.s32 s10, $0x1;
	s10 =	sld [smem:$0x3FAF];
	_ =	sdelay $0x3  }
0x37: {  	[smem:$0x3FAF] =	sst s10  }
0x38: {  	s10 =	sld [smem:$0x3FB0]  }
0x39: {  	_ = 	snop;
	(pc) =	sbr.ind lr, $3  }
0x3a: {  	_ = 	snop  }
0x3b: {  	_ = 	snop  }
0x3c: {  	p2 =	seq.s32 s10, $0x1;
	s10 =	sld [smem:$0x3FAF]  }
0x3d: {  	_ =	shalt  }
0x3e: {  	_ =	shalt  }
0x3f: {  	_ =	shalt  }
0x40: {  	_ =	shalt  }
0x41: {  	_ =	shalt  }
0x42: {  	_ =	shalt  }
0x43: {  	_ =	shalt  }
0x44: {  	_ =	shalt  }
0x45: {  	_ =	shalt  }
0x46: {  	_ =	shalt  }
0x47: {  	_ =	shalt  }
0x48: {  	_ =	shalt  }
0x49: {  	_ =	shalt  }
0x4a: {  	_ =	shalt  }
0x4b: {  	_ =	shalt  }
0x4c: {  	_ =	shalt  }
0x4d: {  	_ =	shalt  }
0x4e: {  	_ =	shalt  }
0x4f: {  	_ =	shalt  }
0x50: {  	_ =	shalt  }
0x51: {  	_ =	shalt  }
0x52: {  	_ =	shalt  }
0x53: {  	_ =	shalt  }
0x54: {  	_ =	shalt  }
0x55: {  	_ =	shalt  }
0x56: {  	_ =	shalt  }
0x57: {  	_ =	shalt  }
0x58: {  	_ =	shalt  }
0x59: {  	_ =	shalt  }
0x5a: {  	_ =	shalt  }
0x5b: {  	_ =	shalt  }
0x5c: {  	_ =	shalt  }
0x5d: {  	_ =	shalt  }
0x5e: {  	_ =	shalt  }
0x5f: {  	_ =	shalt  }
0x60: {  	_ =	shalt  }
0x61: {  	_ =	shalt  }
0x62: {  	_ =	shalt  }
0x63: {  	_ =	shalt  }
0x64: {  	_ =	shalt  }
0x65: {  	_ =	shalt  }
0x66: {  	_ =	shalt  }
0x67: {  	_ =	shalt  }
0x68: {  	_ =	shalt  }
0x69: {  	_ =	shalt  }
0x6a: {  	_ =	shalt  }
0x6b: {  	_ =	shalt  }
0x6c: {  	_ =	shalt  }
0x6d: {  	_ =	shalt  }
0x6e: {  	_ =	shalt  }
0x6f: {  	_ =	shalt  }
0x70: {  	_ =	shalt  }
0x71: {  	_ =	shalt  }
0x72: {  	_ =	shalt  }
0x73: {  	_ =	shalt  }
0x74: {  	_ =	shalt  }
0x75: {  	_ =	shalt  }
0x76: {  	_ =	shalt  }
0x77: {  	_ =	shalt  }
0x78: {  	_ =	shalt  }
0x79: {  	_ =	shalt  }
0x7a: {  	_ =	shalt  }
0x7b: {  	_ =	shalt  }
0x7c: {  	_ =	shalt  }
0x7d: {  	_ =	shalt  }
0x7e: {  	_ =	shalt  }
0x7f: {  	_ =	shalt  }
0x80: {  	_ =	shalt  }
0x81: {  	_ =	shalt  }
0x82: {  	_ =	shalt  }
0x83: {  	_ =	shalt  }
0x84: {  	_ =	shalt  }
0x85: {  	_ =	shalt  }
0x86: {  	_ =	shalt  }
0x87: {  	_ =	shalt  }
.Lfunc_end0:
.L_simem_size_0:
called_computation_lowered:
.L_overlay_start_0:
0x88: {  	s2 =	sld [smem:$0x3FD9]  }
0x89: {  	s3 =	sld [smem:$0x3FFE];
	_ =	sdelay $0x1  }
0x8a: {  	s1 =	srdreg.scid  }
0x8b: {  	s0 =	sand.u32 $0x1, s1  }
0x8c: {  	s14 =	sshll.u32 s0, $0xA;
	s2 =	sadd.s32 s3, s2  }
0x8d: {  	s2 =	sadd.s32 s2, s14  }
0x8e: {  	[smem:$0x3FBB] =	sst s2  }
0x8f: {  	_ = 	snop  }
0x90: {  	s2 =	sld [smem:$0x3FD0];
	_ =	sdelay $0x2  }
0x91: {  	s15 =	simm.s32 $0xA;
	s4 =	simm.s32 $0x10  }
0x92: {  	[smem:s4], [sflag:s15] =	dma.local [hbm:s2], $0x1  }
0x93: {  	_ =	swait.eq [sflag:s15], $0x1  }
0x94: {  	[sflag:s15] =	ssyncset.done $0x0  }
0x95: {  	[sflag:s15] =	ssyncadd.s32 $0xFFFFFFFF  }
0x96: {  	s16 =	sld [smem:$0x10];
	(tm) =	ssettm $0x1  }
0x97: {  	s17 =	sld [smem:$0x3FFB];
	_ =	sdelay $0x3  }
0x98: {  	_ =	strace s17  }
0x99: {  	s3 =	sld [smem:$0x3FFC];
	_ =	sdelay $0x3  }
0x9a: {  	_ =	strace s3  }
0x9b: {  	s3 =	sld [smem:$0x3FFD];
	_ =	sdelay $0x3  }
0x9c: {  	_ =	strace s3  }
0x9d: {  	_ =	strace $0x8FFFFFFF  }
0x9e: {  	s18 =	sld [smem:$0x3FDB];
	_ =	sdelay $0x1  }
0x9f: {  	s19 =	simm.s32 $_scs_section_size  }
0xa0: {  	s5 =	simm.s32 $_size__tile_overlayer_lowered;
	s6 =	simm.s32 $_tile_overlayer_lowered  }
0xa1: {  	s22 =	simm.s32 $0x1BFF;
	s21 =	sshll.u32 s6, $0x1;
	s3 =	sadd.s32 s19, s18  }
0xa2: {  	s7 =	simm.s32 $0x0;
	s20 =	sshll.u32 s5, $0x1;
	s5 =	sadd.s32 s21, s3  }
0xa3: {  	[timem:s7], [sflag:s22] =	dma.local [hbm:s5], s20  }
0xa4: {  	_ =	swait.ge [sflag:s22], s20  }
0xa5: {  	s4 =	ssub.s32 $0x0, s20;
	[sflag:s22] =	ssyncset.done $0x0  }
0xa6: {  	[sflag:s22] =	ssyncadd.s32 s4;
	_ =	sdelay $0x1  }
0xa7: {  	s23 =	simm.s32 $0x1B8B  }
0xa8: {  	_ =	swait.ge [sflag:s23], $0x1  }
0xa9: {  	[sflag:s23] =	ssyncset.done $0x0  }
0xaa: {  	s25 =	simm.s32 $0x1B8E;
	s24 =	sld [smem:$0x3FFE];
	[sflag:s23] =	ssyncadd.s32 $0xFFFFFFFF  }
0xab: {  	s26 =	simm.s32 $execute0_lowered;
	[smem:$0x3FD2] =	sst s25  }
0xac: {  	s5 =	sshll.u32 s26, $0x1;
	_ =	strace $0x80000046;
	[dreg:$0x1] =	wrdreg $0xFFFFFFFF  }
0xad: {  	s28 =	simm.s32 $_size_execute0_lowered;
	s3 =	sadd.s32 s3, s5;
	[dreg:$0x0] =	wrdreg $0x0  }
0xae: {  	s5 =	sshll.u32 s28, $0x1;
	[dreg:$0x2] =	wrdreg s3  }
0xaf: {  	[dreg:$0x3] =	wrdreg s5  }
0xb0: {  	[dreg:$0x4] =	wrdreg $0xC0  }
0xb1: {  	_ =	task [dreg:s7], $0x5FFFF  }
0xb2: {  	[dreg:$0x1] =	wrdreg $0xFFFFFFFF  }
0xb3: {  	[dreg:$0x0] =	wrdreg $0x60  }
0xb4: {  	[dreg:$0x2] =	wrdreg s24  }
0xb5: {  	[dreg:$0x3] =	wrdreg s16  }
0xb6: {  	[dreg:$0x4] =	wrdreg $0x9  }
0xb7: {  	_ =	task.clear_ibuf [dreg:s7], $0x5FFFF;
	_ =	strace $0x90000046  }
0xb8: {  	s29 =	simm.s32 $0x9;
	_ =	strace $0x80000048  }
0xb9: {  	_ =	swait.ge [sflag:s29], $0x1  }
0xba: {  	[sflag:s29] =	ssyncadd.s32 $0xFFFFFFFF  }
0xbb: {  	_ =	strace $0x90000048  }
0xbc: {  	_ =	sfence  }
0xbd: {  	s30 =	sld [smem:$0x0];
	_ =	sdelay $0x2  }
0xbe: {  	s31 =	sshll.u32 s1, $0xD;
	s1 =	sshrl.u32 s1, $0x2  }
0xbf: {  	s3 =	sand.u32 $0x4000, s31;
	s1 =	sadd.s32 s1, s30  }
0xc0: {  	s0 =	sor.u32 s3, s0;
	s1 =	sshll.u32 s1, $0x11  }
0xc1: {  	s0 =	sor.u32 s1, s0  }
0xc2: {  	s0 =	sadd.s32 $0x8F2B, s0  }
0xc3: {  	[sflag:s0] =	ssyncadd.remote.s32 $0x1  }
0xc4: {  	_ =	sfence.sel $0xFFFF  }
0xc5: {  	[dreg:$0x0] =	wrdreg $0xFFFFFFFF;
	(pc) =	sbr.abs _section_cstart, $3  }
0xc6: {  	[dreg:$0x1] =	wrdreg $0xFFFFFFFF  }
0xc7: {  	_ =	task.clear_ibuf [dreg:s7], $0x2FFFF;
	_ =	strace $0x9FFFFFFF  }
0xc8: {  	(tm) =	ssettm $0x7FFFFFFF  }
0xc9: {  	_ =	shalt  }
tec
execute0_lowered:
.L_overlay_start_1:
0x0: {  	(tag) =	ssettag $0x1  }
0x1: {  	s0 =	srdreg.scid  }
0x2: {  	s4 =	stileid.u32;
	s21 =	rddreg [dreg:$0x0]  }
0x3: {  	s2 =	simm.s32 $0x1;
	s3 =	rddreg [dreg:$0x1];
	s8 =	simm.s32 $0x0  }
0x4: {  	s0 =	sand.u32 $0x1, s0;
	[smem:$0x7FF] =	sst s8;
	s7 =	sadd.s32 $0xB200, s21  }
0x5: {  	s1 =	sor.u32 s0, s4;
	p1 =	seq.s32 s0, $0x1;
	s10 =	sshll.u32 s0, $0x6  }
0x6: {  	s23 =	sshll.u32 s0, $0xD;
	s0 =	ssub.s32 $0x2, s0;
	p0 =	seq.s32 s1, $0x0  }
0x7: {  	_ =	strace $0x80000047;
	s24 =	sshrl.u32 s0, $0x1;
	p0 =	por !p0, !p1  }
0x8: {  	[dreg:$0x3] =	wrdreg s7;
	s0 =	ssub.s32 s0, s24;
	p0 =	por !p0, !p0  }
0x9: {  	[dreg:$0x4] =	wrdreg s10;
	s0 =	smax.u32 s0, $0x1;
	s2 =	simm.s32 @!p0 $0x0  }
0xa: {  	[dreg:$0xf] =	wrdreg s0;
	s2 =	ssub.s32 s4, s2  }
0xb: {  	s4 =	sshrl.u32 s2, $0x3;
	s5 =	sshll.u32 s2, $0x7;
	s22 =	sshll.u32 s2, $0xE  }
0xc: {  	s5 =	sand.u32 $0x380, s5;
	s6 =	sshll.u32 s4, $0xF;
	s4 =	sshll.u32 s4, $0xA  }
0xd: {  	s6 =	sor.u32 s5, s6;
	s4 =	sor.u32 s5, s4;
	s5 =	sor.u32 s23, s22  }
0xe: {  	s2 =	sshll.u32 s2, $0x13;
	s6 =	sshrl.u32 s6, $0x3;
	s5 =	sshrl.u32 s5, $0x3  }
0xf: {  	[dreg:$0xb] =	wrdreg s2;
	s6 =	sadd.s32 s6, s21;
	s30 =	sadd.s32 s3, s5  }
0x10: {  	s25 =	sadd.s32 $0x6C00, s6;
	[dreg:$0xc] =	wrdreg s30  }
0x11: {  	s4 =	sor.u32 s10, s4;
	s26 =	sadd.s32 $0x8C00, s6;
	[dreg:$0x5] =	wrdreg s25  }
0x12: {  	s1 =	sadd.s32 s5, s21;
	s6 =	sadd.s32 $0x4C00, s6;
	[dreg:$0x6] =	wrdreg s26  }
0x13: {  	s4 =	sshrl.u32 s4, $0x3;
	s31 =	sadd.s32 $0x10B200, s1;
	[dreg:$0x7] =	wrdreg s6  }
0x14: {  	s4 =	sadd.s32 s4, s21;
	s1 =	sadd.s32 $0x113200, s1;
	[dreg:$0xd] =	wrdreg s31  }
0x15: {  	s9 =	simm.s32 $0x1;
	s28 =	sadd.s32 $0xAC00, s4;
	[dreg:$0xe] =	wrdreg s1  }
0x16: {  	v0 =	vimm.s32 $0x0;
	s3 =	simm.s32 $0x8000;
	s29 =	sadd.s32 $0xAE00, s4;
	[dreg:$0x8] =	wrdreg s28  }
0x17: {  	v1 =	vimm.s32 $0x1;
	v2 =	vimm.f32 $0.0e+00;
	v3 =	vlaneseq.u32;
	s5 =	simm.s32 $0xA000;
	s4 =	sadd.s32 $0xB000, s4;
	[dreg:$0x9] =	wrdreg s29  }
0x18: {  	v5 =	vimm.f32 $+Inf;
	v4 =	vor.u32 $0x80000000, v3;
	v6 =	vor.u32 $0x10, v3;
	s1 =	simm.s32 $0x0;
	[dreg:$0xa] =	wrdreg s4;
	s4 =	simm.s32 $0x9000  }
.LBB2_1:
0x19: {  	[dreg:$0x10] =	wrdreg s1  }
0x1a: {  	s0 =	rddreg [dreg:$0x5];
	s22 =	simm.s32 $0x80;
	s2 =	simm.s32 $0x400  }
0x1b: {  	[tilespmem:s3], [sflag:$0x1] =	stream.strided.gather [hbm4b:s0+s22], $0x1000, s2, s22, $0x38;
	[tilespmem:$0x12300] =	vst v63  }
0x1c: {  	_ =	swait.ge [sflag:s9], $0x1000  }
0x1d: {  	[sflag:s9] =	ssyncset.done $0x0  }
0x1e: {  	s23 =	rddreg [dreg:$0x6];
	[sflag:s9] =	ssyncadd.s32 $0xFFFFF000  }
0x1f: {  	[tilespmem:s4], [sflag:$0x1] =	stream.strided.gather [hbm4b:s23+s22], $0x1000, s2, s22, $0x38;
	[tilespmem:$0x12300] =	vst v63  }
0x20: {  	_ =	swait.ge [sflag:s9], $0x1000  }
0x21: {  	[sflag:s9] =	ssyncset.done $0x0  }
0x22: {  	s24 =	rddreg [dreg:$0x7];
	[sflag:s9] =	ssyncadd.s32 $0xFFFFF000  }
0x23: {  	[tilespmem:s5], [sflag:$0x1] =	stream.strided.gather [hbm4b:s24+s22], $0x1000, s2, s22, $0x38;
	[tilespmem:$0x12300] =	vst v63  }
0x24: {  	_ =	swait.ge [sflag:s9], $0x1000  }
0x25: {  	[sflag:s9] =	ssyncset.done $0x0  }
0x26: {  	s26 =	simm.s32 $0xB000;
	s25 =	rddreg [dreg:$0x8];
	[sflag:s9] =	ssyncadd.s32 $0xFFFFF000  }
0x27: {  	[tilespmem:s26], [sflag:$0x1] =	stream.linear.gather [hbm4b:s25+s8], $0x40, $0x38;
	[tilespmem:$0x12300] =	vst v63  }
0x28: {  	_ =	swait.ge [sflag:s9], $0x40  }
0x29: {  	[sflag:s9] =	ssyncset.done $0x0  }
0x2a: {  	s29 =	simm.s32 $0xB080;
	s28 =	rddreg [dreg:$0x9];
	[sflag:s9] =	ssyncadd.s32 $0xFFFFFFC0  }
0x2b: {  	[tilespmem:s29], [sflag:$0x1] =	stream.linear.gather [hbm4b:s28+s8], $0x40, $0x38;
	[tilespmem:$0x12300] =	vst v63  }
0x2c: {  	_ =	swait.ge [sflag:s9], $0x40  }
0x2d: {  	[sflag:s9] =	ssyncset.done $0x0  }
0x2e: {  	s31 =	simm.s32 $0xB100;
	s30 =	rddreg [dreg:$0xa];
	[sflag:s9] =	ssyncadd.s32 $0xFFFFFFC0  }
0x2f: {  	[tilespmem:s31], [sflag:$0x1] =	stream.linear.gather [hbm4b:s30+s8], $0x40, $0x38;
	[tilespmem:$0x12300] =	vst v63  }
0x30: {  	_ =	swait.ge [sflag:s9], $0x40  }
0x31: {  	[sflag:s9] =	ssyncset.done $0x0  }
0x32: {  	s0 =	simm.s32 $0x0;
	[sflag:s9] =	ssyncadd.s32 $0xFFFFFFC0  }
.LBB2_2:
0x33: {  	s1 =	sshll.u32 s0, $0x3;
	s28 =	rddreg [dreg:$0x4]  }
0x34: {  	[dreg:$0x11] =	wrdreg s0;
	s0 =	sadd.s32 s28, s1  }
0x35: {  	s29 =	rddreg [dreg:$0xb];
	s0 =	sshll.u32 s0, $0xC  }
0x36: {  	s0 =	sadd.s32 s29, s0  }
0x37: {  	s30 =	rddreg [dreg:$0x3];
	s0 =	sshrl.u32 s0, $0x3  }
0x38: {  	s31 =	simm.s32 $0x0;
	[dreg:$0x12] =	wrdreg s1;
	s0 =	sadd.s32 s30, s0  }
0x39: {  	[tilespmem:s31], [sflag:$0x1] =	stream.linear.gather [hbm4b:s0+s31], $0x8000, $0x38;
	[tilespmem:$0x12300] =	vst v63  }
0x3a: {  	_ =	swait.ge [sflag:s9], $0x8000  }
0x3b: {  	[sflag:s9] =	ssyncset.done $0x0  }
0x3c: {  	s8 =	simm.s32 $0x0;
	[sflag:s9] =	ssyncadd.s32 $0xFFFF8000  }
.LBB2_3:
0x3d: {  	s0 =	sshll.u32 s8, $0x7  }
0x3e: {  	v7 =	vmov s0;
	_ =	sdelay $0x1  }
0x3f: {  	s29 =	simm.s32 $0x0;
	s1 =	simm.s32 $0x0  }
0x40: {  	s0 =	sand.u32 $0x40, s29;
	s1 =	sand.u32 $0x3C00, s1  }
0x41: {  	[dreg:$0x13] =	wrdreg s8;
	s0 =	sor.u32 s0, s1  }
0x42: {  	s3 =	simm.s32 $0x830;
	s2 =	simm.s32 $0x820;
	v8 =	vld.idx.msk [tilespmem:v7+s0+$0x30 ss:$0x1], $0xffff  }
0x43: {  	s7 =	simm.s32 $0x4180;
	s4 =	simm.s32 $0x810;
	s5 =	simm.s32 $0x4080;
	v10 =	vld.idx.msk [tilespmem:v7+s0+$0x20 ss:$0x1], $0xffff  }
0x44: {  	s30 =	simm.s32 $0x4100;
	s4 =	sand.u32 $0x50, s4;
	s5 =	sand.u32 $0x7C00, s5;
	v9 =	vld.idx.msk [tilespmem:v7+s0+$0x10 ss:$0x1], $0xffff  }
0x45: {  	s9 =	sand.u32 $0x60, s2;
	s8 =	sand.u32 $0x7C00, s30;
	s2 =	simm.s32 $0x0;
	v11 =	vld.idx.msk [tilespmem:v7+s0+$0x0 ss:$0x1], $0xffff  }
0x46: {  	s7 =	sand.u32 $0x7C00, s7;
	s1 =	simm.s32 $0x870;
	s31 =	sor.u32 s4, s5;
	v12 =	vld.idx.msk [tilespmem:v7+s0+$0x4000 ss:$0x1], $0xffff  }
0x47: {  	v14 =	vimm.f32 $+Inf;
	v15 =	vimm.f32 $+Inf;
	s4 =	sor.u32 s9, s8;
	s5 =	sand.u32 $0x70, s3;
	s3 =	simm.s32 $0x0;
	v13 =	vld.idx.msk [tilespmem:v7+s31+$0x0 ss:$0x1], $0xffff  }
.LBB2_4:
0x48: {  	s0 =	sadd.s32 $0xFFFFF7D0, s1;
	v16 =	vld.idx.msk [tilespmem:v7+s4+$0x0 ss:$0x1], $0xffff;
	s4 =	sor.u32 s5, s7;
	s3 =	sadd.s32 $0x200, s3;
	v17 =	vmov v8  }
0x49: {  	v19 =	vmov v10;
	s7 =	smov.u32 s1;
	s0 =	sand.u32 $0x40, s0;
	s5 =	sand.u32 $0x3C00, s3;
	v18 =	vld.idx.msk [tilespmem:v7+s4+$0x0 ss:$0x1], $0xffff  }
0x4a: {  	s2 =	sadd.s32 $0x4, s2;
	s4 =	sor.u32 s0, s5  }
0x4b: {  	s1 =	sadd.s32 $0x40, s1;
	p0 =	slt.u32 s2, $0x7C;
	s0 =	simm.s32 $0xB1C0;
	v8 =	vld.idx.msk [tilespmem:v7+s4+$0x30 ss:$0x1], $0xffff  }
.Ltmp0:
0x4c: {  	s8 =	sadd.s32 $0x4180, s3;
	s5 =	sadd.s32 $0xFFFFFFF0, s7;
	v11 =	vmin.f32 v14, v11;
	v12 =	vmin.f32 v15, v12;
	v10 =	vld.idx.msk [tilespmem:v7+s4+$0x20 ss:$0x1], $0xffff;
	(pc) =	sbr.rel @p0 .LBB2_4-.Ltmp0, $4  }
0x4d: {  	s9 =	sadd.s32 $0xFFFFFFE0, s7;
	s10 =	sadd.s32 $0x4080, s3;
	v14 =	vmin.f32 v11, v9;
	v12 =	vmin.f32 v12, v13;
	v9 =	vld.idx.msk [tilespmem:v7+s4+$0x10 ss:$0x1], $0xffff  }
0x4e: {  	s11 =	sadd.s32 $0x4100, s3;
	s9 =	sand.u32 $0x50, s9;
	s10 =	sand.u32 $0x7C00, s10;
	v13 =	vmin.f32 v14, v19;
	v15 =	vmin.f32 v12, v16;
	v11 =	vld.idx.msk [tilespmem:v7+s4+$0x0 ss:$0x1], $0xffff  }
0x4f: {  	s5 =	sand.u32 $0x60, s5;
	v14 =	vmin.f32 v13, v17;
	v15 =	vmin.f32 v15, v18;
	v12 =	vld.idx.msk [tilespmem:v7+s4+$0x4000 ss:$0x1], $0xffff;
	s4 =	sor.u32 s9, s10;
	s9 =	sand.u32 $0x7C00, s11  }
0x50: {  	v13 =	vld.idx.msk [tilespmem:v7+s4+$0x0 ss:$0x1], $0xffff;
	s4 =	sor.u32 s5, s9;
	s5 =	sand.u32 $0x70, s7;
	s7 =	sand.u32 $0x7C00, s8  }
0x51: {  	_ =	sdelay $0x3  }
0x52: {  	v16 =	vld.idx.msk [tilespmem:v7+s4+$0x0 ss:$0x1], $0xffff;
	s1 =	sor.u32 s5, s7  }
0x53: {  	v17 =	vld.idx.msk [tilespmem:v7+s1+$0x0 ss:$0x1], $0xffff;
	[tilespmem:s0+$0xFFFFFFC0] =	vst v0  }
0x54: {  	[tilespmem:s0+$0x30] =	vst v0  }
0x55: {  	[tilespmem:s0+$0x20] =	vst v0  }
0x56: {  	[tilespmem:s0+$0x10] =	vst v0;
	v11 =	vmin.f32 v14, v11;
	v12 =	vmin.f32 v15, v12  }
0x57: {  	[tilespmem:s0+$0x0] =	vst v0;
	v9 =	vmin.f32 v11, v9;
	v11 =	vmin.f32 v12, v13  }
0x58: {  	[tilespmem:s0+$0xFFFFFFF0] =	vst v0;
	v9 =	vmin.f32 v9, v10;
	v10 =	vmin.f32 v11, v16  }
0x59: {  	s1 =	simm.s32 $0x0;
	[tilespmem:s0+$0xFFFFFFE0] =	vst v0;
	v8 =	vmin.f32 v9, v8;
	v9 =	vmin.f32 v10, v17  }
.LBB2_6:
0x5a: {  	s1 =	sadd.s32 $0x8, s1;
	[tilespmem:s0+$0xFFFFFFD0] =	vst v0;
	s0 =	sadd.s32 $0x80, s0  }
0x5b: {  	[tilespmem:s0+$0xFFFFFFC0] =	vst v0;
	p0 =	slt.u32 s1, $0xF8  }
0x5c: {  	[tilespmem:s0+$0x30] =	vst v0  }
.Ltmp1:
0x5d: {  	[tilespmem:s0+$0x20] =	vst v0;
	(pc) =	sbr.rel @p0 .LBB2_6-.Ltmp1, $4  }
0x5e: {  	[tilespmem:s0+$0x10] =	vst v0  }
0x5f: {  	[tilespmem:s0+$0x0] =	vst v0  }
0x60: {  	[tilespmem:s0+$0xFFFFFFF0] =	vst v0  }
0x61: {  	[tilespmem:s0+$0xFFFFFFE0] =	vst v0  }
0x62: {  	v10 =	vmin.f32 v8, v9  }
0x63: {  	(xrf0) =	vmin.scan.msk.f32 $0xffff, v10  }
0x64: {  	(xrf0) =	vmax.scan.msk.f32 $0xffff, v8  }
0x65: {  	(xrf0) =	vmax.scan.msk.f32 $0xffff, v9;
	_ =	sdelay $0x3  }
0x66: {  	v9, _, _ =	vpop (xrf0)  }
0x67: {  	v8, _, _ =	vpop (xrf0);
	(v2sf) =	vpush v9, $0xF  }
0x68: {  	(v2sf) =	vpush v8, $0xF;
	v8, _, _ =	vpop (xrf0)  }
0x69: {  	(v2sf) =	vpush v8, $0xF;
	_ =	sdelay $0xc  }
0x6a: {  	s24 =	spop (v2sf)  }
0x6b: {  	s1 =	spop (v2sf)  }
0x6c: {  	s2 =	spop (v2sf)  }
0x6d: {  	s1 =	smax.f32 s1, s2  }
0x6e: {  	[tilespmem:s0+$0xFFFFFFD0] =	vst v0;
	s0 =	ssub.f32 s1, s24;
	_ =	sdelay $0x1  }
0x6f: {  	s0 =	smax.f32 s0, $1.000000000e-30  }
0x70: {  	v8 =	vmov s0  }
0x71: {  	(erf) = vrcp.f32 v8;
	_ =	sdelay $0x1  }
0x72: {  	s0 =	simm.s32 $0x0  }
0x73: {  	s25 =	sand.u32 $0x40, s0;
	s26 =	sand.u32 $0x7C00, s0  }
0x74: {  	s1 =	sor.u32 s25, s26  }
0x75: {  	v10 =	vld.idx.msk [tilespmem:v7+s1+$0x30 ss:$0x1], $0xffff;
	_ =	sdelay $0x2  }
0x76: {  	v9 =	vbroadcast v9, $0xF;
	v11 =	vld.idx.msk [tilespmem:v7+s1+$0x0 ss:$0x1], $0xffff  }
0x77: {  	s28 =	simm.s32 $0x200;
	s29 =	simm.s32 $0x40;
	v12 =	vld.idx.msk [tilespmem:v7+s1+$0x10 ss:$0x1], $0xffff;
	v8 =	vpop (erf)  }
0x78: {  	s2 =	sand.u32 $0x40, s29;
	v13 =	vld.idx.msk [tilespmem:v7+s1+$0x20 ss:$0x1], $0xffff;
	s1 =	sand.u32 $0x7C00, s28;
	v10 =	vsub.f32 v10, v9;
	v8 =	vmul.f32 $4.094000000e+03, v8  }
0x79: {  	s1 =	sor.u32 s2, s1  }
0x7a: {  	v14 =	vld.idx.msk [tilespmem:v7+s1+$0x30 ss:$0x1], $0xffff;
	v10 =	vmul.f32 v10, v8;
	_ =	sdelay $0x1  }
0x7b: {  	v11 =	vsub.f32 v11, v9;
	v10 =	vmin.f32 v10, $4.095000000e+03  }
0x7c: {  	v12 =	vsub.f32 v12, v9;
	v10 =	vtrunc.f32 v10  }
0x7d: {  	v15 =	vld.idx.msk [tilespmem:v7+s1+$0x0 ss:$0x1], $0xffff;
	v13 =	vsub.f32 v13, v9;
	v11 =	vmul.f32 v11, v8;
	v10 =	vcvt.f32.s32 v10  }
0x7e: {  	v16 =	vld.idx.msk [tilespmem:v7+s1+$0x10 ss:$0x1], $0xffff;
	v18 =	vsub.f32 v14, v9;
	v12 =	vmul.f32 v12, v8  }
0x7f: {  	s30 =	simm.s32 $0x400;
	s31 =	simm.s32 $0x80;
	v17 =	vld.idx.msk [tilespmem:v7+s1+$0x20 ss:$0x1], $0xffff;
	v13 =	vmul.f32 v13, v8;
	v11 =	vmin.f32 v11, $4.095000000e+03  }
0x80: {  	s2 =	sand.u32 $0x40, s31;
	s1 =	sand.u32 $0x7C00, s30;
	v18 =	vmul.f32 v18, v8;
	v12 =	vmin.f32 v12, $4.095000000e+03;
	v11 =	vtrunc.f32 v11  }
0x81: {  	s2 =	sor.u32 s2, s1;
	v20 =	vcvt.f32.s32 v11;
	v11 =	vtrunc.f32 v12;
	v12 =	vmin.f32 v13, $4.095000000e+03  }
0x82: {  	s1 =	simm.s32 $0xB180;
	v15 =	vsub.f32 v15, v9;
	v14 =	vld.idx.msk [tilespmem:v7+s2+$0x30 ss:$0x1], $0xffff;
	v12 =	vtrunc.f32 v12;
	v11 =	vcvt.f32.s32 v11  }
0x83: {  	v16 =	vsub.f32 v16, v9;
	[tilespmem:v10+s1+$0x0] =	vst.idx.add.s32.msk $0xffff, v1;
	v10 =	vcvt.f32.s32 v12  }
0x84: {  	v17 =	vsub.f32 v17, v9;
	v19 =	vmul.f32 v15, v8;
	v13 =	vld.idx.msk [tilespmem:v7+s2+$0x0 ss:$0x1], $0xffff;
	v12 =	vmin.f32 v18, $4.095000000e+03  }
0x85: {  	v15 =	vld.idx.msk [tilespmem:v7+s2+$0x10 ss:$0x1], $0xffff;
	v21 =	vmul.f32 v16, v8;
	v12 =	vtrunc.f32 v12  }
0x86: {  	v16 =	vld.idx.msk [tilespmem:v7+s2+$0x20 ss:$0x1], $0xffff;
	v17 =	vmul.f32 v17, v8;
	v18 =	vmin.f32 v19, $4.095000000e+03;
	v12 =	vcvt.f32.s32 v12  }
0x87: {  	s3 =	simm.s32 $0x600;
	s4 =	simm.s32 $0xC0;
	s2 =	simm.s32 $0x8;
	v19 =	vmin.f32 v21, $4.095000000e+03;
	[tilespmem:v20+s1+$0x0] =	vst.idx.add.s32.msk $0xffff, v1;
	v18 =	vtrunc.f32 v18  }
.LBB2_8:
0x88: {  	s5 =	sand.u32 $0x40, s4;
	s7 =	sand.u32 $0x7C00, s3;
	s2 =	sadd.s32 $0x4, s2;
	v20 =	vsub.f32 v14, v9;
	v19 =	vtrunc.f32 v19;
	v14 =	vmin.f32 v17, $4.095000000e+03;
	[tilespmem:v11+s1+$0x0] =	vst.idx.add.s32.msk $0xffff, v1  }
0x89: {  	v17 =	vsub.f32 v13, v9;
	v21 =	vcvt.f32.s32 v18;
	s5 =	sor.u32 s5, s7;
	p0 =	slt.u32 s2, $0xFC;
	v18 =	vtrunc.f32 v14;
	[tilespmem:v10+s1+$0x0] =	vst.idx.add.s32.msk $0xffff, v1  }
0x8a: {  	v11 =	vcvt.f32.s32 v19;
	v14 =	vld.idx.msk [tilespmem:v7+s5+$0x30 ss:$0x1], $0xffff;
	v20 =	vmul.f32 v20, v8  }
.Ltmp2:
0x8b: {  	v17 =	vmul.f32 v17, v8;
	v19 =	vsub.f32 v15, v9;
	v10 =	vcvt.f32.s32 v18;
	v13 =	vld.idx.msk [tilespmem:v7+s5+$0x0 ss:$0x1], $0xffff;
	(pc) =	sbr.rel @p0 .LBB2_8-.Ltmp2, $4  }
0x8c: {  	v18 =	vsub.f32 v16, v9;
	v16 =	vmin.f32 v20, $4.095000000e+03;
	[tilespmem:v12+s1+$0x0] =	vst.idx.add.s32.msk $0xffff, v1  }
0x8d: {  	v20 =	vmin.f32 v17, $4.095000000e+03;
	v19 =	vmul.f32 v19, v8;
	v15 =	vld.idx.msk [tilespmem:v7+s5+$0x10 ss:$0x1], $0xffff;
	v12 =	vtrunc.f32 v16  }
0x8e: {  	v17 =	vmul.f32 v18, v8;
	v16 =	vld.idx.msk [tilespmem:v7+s5+$0x20 ss:$0x1], $0xffff;
	v12 =	vcvt.f32.s32 v12  }
0x8f: {  	s3 =	sadd.s32 $0x200, s3;
	s4 =	sadd.s32 $0x40, s4;
	v18 =	vtrunc.f32 v20;
	v19 =	vmin.f32 v19, $4.095000000e+03;
	[tilespmem:v21+s1+$0x0] =	vst.idx.add.s32.msk $0xffff, v1  }
0x90: {  	v14 =	vsub.f32 v14, v9;
	v19 =	vtrunc.f32 v19  }
0x91: {  	v17 =	vmin.f32 v17, $4.095000000e+03;
	v13 =	vsub.f32 v13, v9;
	v18 =	vcvt.f32.s32 v18  }
0x92: {  	v17 =	vtrunc.f32 v17;
	v14 =	vmul.f32 v14, v8;
	v15 =	vsub.f32 v15, v9  }
0x93: {  	v19 =	vcvt.f32.s32 v19;
	v13 =	vmul.f32 v13, v8;
	v16 =	vsub.f32 v16, v9  }
0x94: {  	v17 =	vcvt.f32.s32 v17;
	v14 =	vmin.f32 v14, $4.095000000e+03;
	v15 =	vmul.f32 v15, v8  }
0x95: {  	v13 =	vmin.f32 v13, $4.095000000e+03;
	v14 =	vtrunc.f32 v14;
	v16 =	vmul.f32 v16, v8  }
0x96: {  	[tilespmem:v11+s1+$0x0] =	vst.idx.add.s32.msk $0xffff, v1;
	v13 =	vtrunc.f32 v13;
	v11 =	vcvt.f32.s32 v14;
	v61 =	vmin.f32 v15, $4.095000000e+03  }
0x97: {  	[tilespmem:v10+s1+$0x0] =	vst.idx.add.s32.msk $0xffff, v1;
	s1 =	simm.s32 $0xB180;
	v13 =	vcvt.f32.s32 v13;
	v10 =	vtrunc.f32 v61;
	v62 =	vmin.f32 v16, $4.095000000e+03  }
0x98: {  	[tilespmem:v12+s1+$0x0] =	vst.idx.add.s32.msk $0xffff, v1;
	v63 =	vtrunc.f32 v62;
	v10 =	vcvt.f32.s32 v10  }
0x99: {  	[tilespmem:v18+s1+$0x0] =	vst.idx.add.s32.msk $0xffff, v1;
	v12 =	vcvt.f32.s32 v63  }
0x9a: {  	[tilespmem:v19+s1+$0x0] =	vst.idx.add.s32.msk $0xffff, v1  }
0x9b: {  	[tilespmem:v17+s1+$0x0] =	vst.idx.add.s32.msk $0xffff, v1  }
0x9c: {  	[tilespmem:v11+s1+$0x0] =	vst.idx.add.s32.msk $0xffff, v1  }
0x9d: {  	[tilespmem:v13+s1+$0x0] =	vst.idx.add.s32.msk $0xffff, v1  }
0x9e: {  	s2 =	simm.s32 $0x80000000;
	[tilespmem:v10+s1+$0x0] =	vst.idx.add.s32.msk $0xffff, v1  }
0x9f: {  	s7 =	simm.s32 $0x0;
	s8 =	simm.s32 $0x0;
	s3 =	simm.s32 $0x0;
	[tilespmem:v12+s1+$0x0] =	vst.idx.add.s32.msk $0xffff, v1  }
.LBB2_10:
0xa0: {  	v10 =	vld [tilespmem:s1+$0x0];
	_ =	sdelay $0x4  }
0xa1: {  	(xrf0) =	vadd.scan.msk.s32 $0xffff, v10;
	_ =	sdelay $0x5  }
0xa2: {  	v10, _, _ =	vpop (xrf0)  }
0xa3: {  	v10 =	vadd.s32 s3, v10  }
0xa4: {  	vm0 =	vgt.s32 v10, $0x1F  }
0xa5: {  	v11 =	vsel vm0, $0x3F800000, v2  }
0xa6: {  	v10 =	vxor.u32 $0x80000000, v10;
	(xrf0) =	vmax.scan.msk.f32 $0xffff, v11;
	v11 =	vnsel vm0, $0x80000010, v4  }
0xa7: {  	(xrf0) =	vmin.scan.msk.u32 $0xffff, v11;
	v11 =	vsel vm0, $0x80000000, v10  }
0xa8: {  	(xrf0) =	vmax.scan.msk.u32 $0xffff, v11;
	_ =	sdelay $0x3  }
0xa9: {  	v11, _, _ =	vpop (xrf0)  }
0xaa: {  	(v2sf) =	vpush v11, $0xF;
	v11, _, _ =	vpop (xrf0)  }
0xab: {  	(xrf0) =	vmax.scan.msk.u32 $0xffff, v10;
	v10, _, _ =	vpop (xrf0);
	(v2sf) =	vpush v11, $0xF  }
0xac: {  	(v2sf) =	vpush v10, $0xF;
	_ =	sdelay $0x7  }
0xad: {  	v10, _, _ =	vpop (xrf0)  }
0xae: {  	(v2sf) =	vpush v10, $0xF;
	_ =	sdelay $0x3  }
0xaf: {  	s4 =	spop (v2sf)  }
0xb0: {  	s5 =	spop (v2sf)  }
0xb1: {  	s9 =	spop (v2sf)  }
0xb2: {  	s9 =	sxor.u32 $0x80000000, s9  }
0xb3: {  	p2 =	sgt.u32 s0, $0xFE;
	p1 =	sgt.s32 s9, s3  }
0xb4: {  	p0 =	sgt.f32 s4, $0.0e+00;
	s3 =	smov.u32 @p1 s9;
	p1 =	sgt.f32 @!p2 s4, $0.0e+00  }
0xb5: {  	s5 =	sadd.s32 s2, s5  }
0xb6: {  	s8 =	smov.u32 @p0 s5;
	s7 =	smov.u32 @p0 s3;
	p0 =	por p2, p1  }
.Ltmp3:
0xb7: {  	_ = 	snop;
	(pc) =	sbr.rel @!p0 .LBB2_10-.Ltmp3, $3  }
0xb8: {  	_ =	sdelay $0x1  }
0xb9: {  	s0 =	sadd.s32 $0x1, s0;
	s31 =	spop (v2sf)  }
0xba: {  	s1 =	sadd.s32 $0x10, s1;
	s2 =	sadd.s32 $0x10, s2;
	s3 =	sxor.u32 $0x80000000, s31  }
0xbb: {  	_ = 	snop  }
0xbc: {  	s0 =	simm.s32 $0x0;
	s5 =	simm.s32 $0x0  }
0xbd: {  	[tilespmem:$0xC200] =	vst v5;
	s1 =	sand.u32 $0x60, s5;
	s2 =	sand.u32 $0x7C00, s0  }
0xbe: {  	[tilespmem:$0xC280] =	vst v0;
	s1 =	sor.u32 s1, s2  }
0xbf: {  	s9 =	simm.s32 $0x10;
	v24 =	vld.idx.msk [tilespmem:v7+s1+$0x0 ss:$0x1], $0xffff  }
0xc0: {  	s24 =	sand.u32 $0x70, s9  }
0xc1: {  	s1 =	sadd.s32 s24, s2  }
0xc2: {  	v11 =	vld.idx.msk [tilespmem:v7+s1+$0x0 ss:$0x1], $0xffff;
	_ =	sdelay $0x1  }
0xc3: {  	v10 =	vsub.f32 v24, v9;
	_ =	sdelay $0x1  }
0xc4: {  	v10 =	vmul.f32 v10, v8  }
0xc5: {  	v12 =	vsub.f32 v11, v9  }
0xc6: {  	v10 =	vmin.f32 v10, $4.095000000e+03  }
0xc7: {  	v12 =	vmul.f32 v12, v8;
	v10 =	vtrunc.f32 v10  }
0xc8: {  	v13 =	vcvt.f32.s32 v10  }
0xc9: {  	v10 =	vmin.f32 v12, $4.095000000e+03  }
0xca: {  	v10 =	vtrunc.f32 v10;
	v12 =	vxor.u32 $0x80000000, v13  }
0xcb: {  	s3 =	simm.s32 $0x20;
	s25 =	simm.s32 $0x100;
	v15 =	vcvt.f32.s32 v10;
	(xrf0) =	vmin.scan.msk.u32 $0xffff, v12  }
0xcc: {  	s26 =	sand.u32 $0x60, s3;
	s1 =	sand.u32 $0x7C00, s25  }
0xcd: {  	s2 =	sor.u32 s26, s1;
	v10 =	vxor.u32 $0x80000000, v15  }
0xce: {  	v14 =	vld.idx.msk [tilespmem:v7+s2+$0x0 ss:$0x1], $0xffff;
	(xrf0) =	vmin.scan.msk.u32 $0xffff, v10  }
0xcf: {  	s4 =	simm.s32 $0x30  }
0xd0: {  	s6 =	sand.u32 $0x70, s4  }
0xd1: {  	s1 =	sadd.s32 s6, s1;
	v12, _, _ =	vpop (xrf0)  }
0xd2: {  	v10 =	vld.idx.msk [tilespmem:v7+s1+$0x0 ss:$0x1], $0xffff;
	(v2sf) =	vpush v12, $0xF  }
0xd3: {  	v16 =	vsub.f32 v14, v9  }
0xd4: {  	v12, _, _ =	vpop (xrf0)  }
0xd5: {  	(v2sf) =	vpush v12, $0xF;
	v12 =	vmul.f32 v16, v8;
	_ =	sdelay $0x1  }
0xd6: {  	v16 =	vsub.f32 v10, v9;
	v12 =	vmin.f32 v12, $4.095000000e+03  }
0xd7: {  	v12 =	vtrunc.f32 v12  }
0xd8: {  	v16 =	vmul.f32 v16, v8;
	v18 =	vcvt.f32.s32 v12;
	_ =	sdelay $0x1  }
0xd9: {  	v12 =	vmin.f32 v16, $4.095000000e+03;
	v16 =	vxor.u32 $0x80000000, v18  }
0xda: {  	v12 =	vtrunc.f32 v12;
	(xrf0) =	vmin.scan.msk.u32 $0xffff, v16  }
0xdb: {  	v19 =	vcvt.f32.s32 v12;
	_ =	sdelay $0x1  }
0xdc: {  	v12 =	vxor.u32 $0x80000000, v19;
	_ =	sdelay $0x1  }
0xdd: {  	(xrf0) =	vmin.scan.msk.u32 $0xffff, v12;
	s10 =	spop (v2sf)  }
0xde: {  	v12, _, _ =	vpop (xrf0);
	s1 =	sxor.u32 $0x80000000, s10  }
0xdf: {  	v17 =	vmov s8;
	(v2sf) =	vpush v12, $0xF;
	p0 =	sgt.s32 s1, s8  }
0xe0: {  	s12 =	simm.s32 $0x40;
	vm1 =	vgt.s32 @!p0 v17, v13;
	v16 =	vimm.s32 @!p0 $0x0  }
0xe1: {  	s2 =	simm.s32 $0x50;
	s10 =	simm.s32 $0x200;
	s11 =	spop (v2sf);
	v12 =	vsel @!p0 vm1, $0x1, v16  }
0xe2: {  	s10 =	sand.u32 $0x7C00, s10;
	s1 =	sxor.u32 $0x80000000, s11;
	vm2 =	veq.s32 @!p0 v17, v13;
	s11 =	sand.u32 $0x60, s12;
	(xrf0) =	vadd.scan.msk.s32 @!p0 $0xffff, v12  }
0xe3: {  	s14 =	sand.u32 $0x70, s2;
	v20, _, _ =	vpop (xrf0);
	s13 =	sor.u32 s11, s10;
	v12 =	vsel @!p0 vm2, $0x1, v16  }
0xe4: {  	(v2sf) =	vpush v20, $0xF;
	s15 =	sadd.s32 s14, s10;
	p6 =	sgt.s32 s1, s8;
	v13 =	vld.idx.msk [tilespmem:v7+s13+$0x0 ss:$0x1], $0xffff;
	(xrf0) =	vadd.scan.msk.s32 @!p0 $0xffff, v12  }
0xe5: {  	vm0 =	vgt.s32 @!p6 v17, v15;
	v16 =	vimm.s32 @!p6 $0x0;
	v12 =	vld.idx.msk [tilespmem:v7+s15+$0x0 ss:$0x1], $0xffff  }
0xe6: {  	vm3 =	veq.s32 @!p6 v17, v15;
	v20 =	vsel @!p6 vm0, $0x1, v16  }
0xe7: {  	v15 =	vsel @!p6 vm3, $0x1, v16;
	(xrf0) =	vadd.scan.msk.s32 @!p6 $0xffff, v20  }
0xe8: {  	(xrf0) =	vadd.scan.msk.s32 @!p6 $0xffff, v15;
	v21, _, _ =	vpop @!p0 (xrf0)  }
0xe9: {  	v16 =	vsub.f32 v13, v9;
	v15 =	vxor.u32 @!p0 $0x80000000, v21  }
0xea: {  	v29, _, _ =	vpop @!p0 (xrf0);
	(xrf0) =	vmax.scan.msk.u32 @!p0 $0xffff, v15;
	v15 =	vsub.f32 v12, v9  }
0xeb: {  	v16 =	vmul.f32 v16, v8;
	v20 =	vxor.u32 @!p0 $0x80000000, v29  }
0xec: {  	(xrf0) =	vmax.scan.msk.u32 @!p0 $0xffff, v20;
	v15 =	vmul.f32 v15, v8  }
0xed: {  	p4 =	por p6, p6;
	v25, _, _ =	vpop @!p6 (xrf0);
	v16 =	vmin.f32 v16, $4.095000000e+03  }
0xee: {  	v20 =	vxor.u32 @!p4 $0x80000000, v25;
	v26, _, _ =	vpop @!p6 (xrf0);
	v16 =	vtrunc.f32 v16;
	s16 =	spop (v2sf);
	v15 =	vmin.f32 v15, $4.095000000e+03  }
0xef: {  	v22 =	vxor.u32 @!p4 $0x80000000, v26;
	(xrf0) =	vmax.scan.msk.u32 @!p4 $0xffff, v20;
	v27 =	vcvt.f32.s32 v16;
	s1 =	sxor.u32 $0x80000000, s16;
	v15 =	vtrunc.f32 v15  }
0xf0: {  	(xrf0) =	vmax.scan.msk.u32 @!p4 $0xffff, v22;
	p3 =	sgt.s32 s1, s8;
	v22 =	vcvt.f32.s32 v15  }
0xf1: {  	v16, _, _ =	vpop @!p0 (xrf0);
	v15 =	vxor.u32 $0x80000000, v27;
	vm4 =	vgt.s32 @!p3 v17, v18  }
0xf2: {  	v20 =	vimm.s32 @!p3 $0x0;
	(v2sf) =	vpush @!p0 v16, $0xF;
	v16, _, _ =	vpop @!p0 (xrf0);
	(xrf0) =	vmin.scan.msk.u32 $0xffff, v15;
	v15 =	vxor.u32 $0x80000000, v22  }
0xf3: {  	s17 =	spop (v2sf);
	(xrf0) =	vmin.scan.msk.u32 $0xffff, v15;
	v15 =	vsel @!p3 vm4, $0x1, v20  }
0xf4: {  	s1 =	sxor.u32 $0x80000000, s17;
	vm5 =	veq.s32 @!p3 v17, v18;
	(v2sf) =	vpush @!p0 v16, $0xF  }
0xf5: {  	p5 =	sgt.s32 s1, s8;
	v18 =	vsel @!p3 vm5, $0x1, v20;
	v16, _, _ =	vpop @!p6 (xrf0)  }
0xf6: {  	vm9 =	veq.s32 @!p5 v17, v19;
	v20 =	vimm.s32 @!p5 $0x0;
	(v2sf) =	vpush @!p4 v16, $0xF;
	(xrf0) =	vadd.scan.msk.s32 @!p3 $0xffff, v15;
	v15, _, _ =	vpop @!p6 (xrf0)  }
0xf7: {  	vm8 =	vgt.s32 @!p5 v17, v19;
	(v2sf) =	vpush @!p4 v15, $0xF;
	v15 =	vsel @!p5 vm9, $0x1, v20  }
0xf8: {  	v16 =	vsel @!p5 vm8, $0x1, v20;
	(xrf0) =	vadd.scan.msk.s32 @!p3 $0xffff, v18;
	v18 =	vlaneseq.u32 @!p6  }
0xf9: {  	(xrf0) =	vadd.scan.msk.s32 @!p5 $0xffff, v16  }
0xfa: {  	(xrf0) =	vadd.scan.msk.s32 @!p5 $0xffff, v15;
	v15, _, _ =	vpop (xrf0)  }
0xfb: {  	v20 =	vor.u32 @!p4 s9, v18;
	v18, _, _ =	vpop (xrf0)  }
0xfc: {  	s18 =	simm.s32 $0x300;
	s10 =	simm.s32 $0x60;
	v28, _, _ =	vpop @!p3 (xrf0)  }
0xfd: {  	s19 =	sand.u32 $0x60, s10;
	s1 =	sand.u32 $0x7C00, s18;
	p1 =	por p5, p5;
	v16 =	vlaneseq.u32 @!p0;
	(v2sf) =	vpush v15, $0xF;
	v19 =	vxor.u32 @!p3 $0x80000000, v28  }
0xfe: {  	vm6 =	vmmov vm1;
	s11 =	simm.s32 $0x70;
	s6 =	simm.s32 @!p1 $0x0;
	v30 =	vor.u32 @!p0 s5, v16;
	v16 =	vmov @!p0 s0;
	s5 =	sor.u32 s19, s1  }
0xff: {  	vm1 =	vmmov vm2;
	s20 =	sand.u32 $0x70, s11;
	vm6 =	vmmov vm6;
	s6 =	simm.s32 @p1 $0x1;
	v15 =	vadd.s32 @!p0 $0xFFFFFFFF, v16;
	v16 =	vld.idx.msk [tilespmem:v7+s5+$0x0 ss:$0x1], $0xffff;
	v34, _, _ =	vpop @!p3 (xrf0)  }
0x100: {  	p2 =	por p0, p0;
	s1 =	sadd.s32 s20, s1;
	[smem:$0x7FD] =	sst s6;
	v31 =	vbroadcast @!p0 v15, $0x0;
	(v2sf) =	vpush v18, $0xF;
	v18 =	vxor.u32 @!p3 $0x80000000, v34;
	(xrf0) =	vmax.scan.msk.u32 @!p3 $0xffff, v19;
	v19, _, _ =	vpop @!p5 (xrf0)  }
0x101: {  	vm2 =	vmmov vm3;
	(xrf0) =	vmax.scan.msk.u32 @!p3 $0xffff, v18;
	v18 =	vbroadcast @!p2 v15, $0x0;
	v15 =	vld.idx.msk [tilespmem:v7+s1+$0x0 ss:$0x1], $0xffff;
	v32 =	vxor.u32 @!p1 $0x80000000, v19;
	v23, _, _ =	vpop @!p5 (xrf0)  }
0x102: {  	v33 =	vadd.s32 @!p2 v31, v29;
	v31 =	vlaneseq.u32 @!p3;
	s1 =	spop @!p0 (v2sf);
	v29 =	vxor.u32 @!p1 $0x80000000, v23;
	(xrf0) =	vmax.scan.msk.u32 @!p1 $0xffff, v32  }
0x103: {  	vm0 =	vmmov vm0;
	v35 =	vadd.s32 @!p2 v18, v21;
	v21 =	vor.u32 @!p3 s3, v31;
	s3 =	spop @!p0 (v2sf);
	(xrf0) =	vmax.scan.msk.u32 @!p1 $0xffff, v29  }
0x104: {  	vm7 =	vmmov vm2;
	vm3 =	vlt.s32 @!p2 v33, $0x10;
	s3 =	sadd.s32 @!p2 $0x0, s3;
	v29 =	vsub.f32 v16, v9  }
0x105: {  	vm2 =	vmmov vm9;
	s6 =	sld [smem:$0x7FD];
	vm1 =	vmand @!p2 vm1, vm3;
	v32 =	vlaneseq.u32 @!p5;
	s5 =	sadd.s32 @!p2 $0x80000000, s3  }
0x106: {  	v18 =	vor.u32 @!p1 s4, v32;
	p1 =	por p4, p4;
	v31, _, _ =	vpop @!p3 (xrf0);
	v62 =	vsub.f32 v15, v9;
	s5 =	smov.u32 @p2 s0;
	v29 =	vmul.f32 v29, v8  }
0x107: {  	vm3 =	vmmov vm4;
	s3 =	simm.s32 @!p5 $0x0;
	(v2sf) =	vpush @!p3 v31, $0xF;
	v31, _, _ =	vpop @!p3 (xrf0);
	v36 =	vmov @!p1 s5  }
0x108: {  	p4 =	por p5, p5;
	s3 =	simm.s32 @p5 $0x1;
	(v2sf) =	vpush @!p3 v31, $0xF;
	v32 =	vmul.f32 v62, v8;
	v29 =	vmin.f32 v29, $4.095000000e+03;
	v31, _, _ =	vpop @!p5 (xrf0);
	p5 =	seq.s32 s6, $0x1  }
0x109: {  	s1 =	sadd.s32 @!p2 $0x0, s1;
	s4 =	spop @!p6 (v2sf);
	v36 =	vadd.s32 @!p1 $0xFFFFFFFF, v36;
	v29 =	vtrunc.f32 v29;
	(v2sf) =	vpush @!p5 v31, $0xF;
	v31, _, _ =	vpop @!p4 (xrf0)  }
0x10a: {  	s1 =	sadd.s32 @!p2 $0x80000000, s1;
	[smem:$0x7FB] =	sst s3;
	s3 =	spop @!p6 (v2sf);
	(v2sf) =	vpush @!p5 v31, $0xF;
	v31 =	vcvt.f32.s32 v29;
	v29 =	vmin.f32 v32, $4.095000000e+03  }
0x10b: {  	vm4 =	vmmov vm0;
	s1 =	smov.u32 @p2 s0;
	s0 =	sadd.s32 @!p1 s3, s5;
	v36 =	vbroadcast @!p1 v36, $0x0;
	v29 =	vtrunc.f32 v29  }
0x10c: {  	v37 =	vmov @!p1 s1;
	s3 =	sadd.s32 @!p1 s4, s1;
	s4 =	sadd.s32 @!p1 $0x80000000, s0;
	s21 =	spop (v2sf);
	v38 =	vxor.u32 $0x80000000, v31;
	v32 =	vcvt.f32.s32 v29  }
0x10d: {  	vm0 =	vmmov vm8;
	v37 =	vadd.s32 @!p1 $0xFFFFFFFF, v37;
	s3 =	sadd.s32 @!p1 $0x80000000, s3;
	s4 =	smov.u32 @p1 s5;
	v26 =	vadd.s32 @!p1 v36, v26;
	s0 =	sxor.u32 $0x80000000, s21;
	(xrf0) =	vmin.scan.msk.u32 $0xffff, v38  }
0x10e: {  	s3 =	smov.u32 @p1 s1;
	vm8 =	vlt.s32 @!p1 v26, $0x10;
	v29 =	vmov @!p3 s4;
	p4 =	sgt.s32 s0, s8;
	v39 =	vxor.u32 $0x80000000, v32  }
0x10f: {  	s13 =	simm.s32 @!p0 $0xC180;
	s22 =	spop (v2sf);
	v38 =	vmov @!p3 s3;
	vm10 =	veq.s32 @!p4 v17, v27;
	(xrf0) =	vmin.scan.msk.u32 $0xffff, v39;
	v39 =	vimm.s32 @!p4 $0x0  }
0x110: {  	s30 =	simm.s32 @!p6 $0xC200;
	s20 =	simm.s32 @!p0 $0xC200;
	[tilespmem:v35+s13+$0x0] =	vst.idx.msk @!p2 vm6, v30;
	s23 =	sxor.u32 $0x80000000, s22;
	v29 =	vadd.s32 @!p3 $0xFFFFFFFF, v29;
	vm11 =	vgt.s32 @!p4 v17, v27;
	v27 =	vsel @!p4 vm10, $0x1, v39  }
0x111: {  	s9 =	simm.s32 $0x80;
	s25 =	sld [smem:$0x7FB];
	[tilespmem:v33+s20+$0x0] =	vst.idx.msk @!p2 vm1, v24;
	p5 =	sgt.s32 s23, s8;
	v38 =	vadd.s32 @!p3 $0xFFFFFFFF, v38;
	v29 =	vbroadcast @!p3 v29, $0x0;
	v36 =	vsel @!p4 vm11, $0x1, v39  }
0x112: {  	s19 =	simm.s32 $0x90;
	s22 =	simm.s32 @!p0 $0xC280;
	p0 =	por p3, p3;
	vm9 =	vgt.s32 @!p5 v17, v22;
	vm12 =	veq.s32 @!p5 v17, v22;
	v39 =	vimm.s32 @!p5 $0x0;
	(xrf0) =	vadd.scan.msk.s32 @!p4 $0xffff, v36  }
0x113: {  	s16 =	simm.s32 @!p3 $0xC180;
	s14 =	sand.u32 $0x60, s9;
	s18 =	sand.u32 $0x70, s19;
	v29 =	vadd.s32 @!p0 v29, v34;
	v36 =	vbroadcast @!p1 v37, $0x0;
	v37 =	vsel @!p5 vm9, $0x1, v39;
	(xrf0) =	vadd.scan.msk.s32 @!p4 $0xffff, v27;
	v27, _, _ =	vpop (xrf0)  }
0x114: {  	s20 =	simm.s32 $0x8;
	s0 =	simm.s32 $0x400;
	v34 =	vsel @!p5 vm12, $0x1, v39;
	p1 =	por p1, p1;
	(xrf0) =	vadd.scan.msk.s32 @!p5 $0xffff, v37;
	(v2sf) =	vpush v27, $0xF;
	v27 =	vbroadcast @!p0 v38, $0x0  }
0x115: {  	s1 =	simm.s32 @!p6 $0xC180;
	s5 =	simm.s32 @!p6 $0xC280;
	s17 =	sand.u32 $0x7C00, s0;
	(xrf0) =	vadd.scan.msk.s32 @!p5 $0xffff, v34;
	v34 =	vadd.s32 @!p1 v36, v25  }
0x116: {  	s31 =	simm.s32 @!p4 $0xC180;
	s23 =	simm.s32 @!p4 $0xC280;
	s15 =	sor.u32 s14, s17  }
0x117: {  	s14 =	simm.s32 @!p3 $0xC200;
	s24 =	sadd.s32 s18, s17;
	s6 =	simm.s32 @!p1 $0x0;
	v25, _, _ =	vpop (xrf0)  }
0x118: {  	vm5 =	vmmov vm5;
	vm6 =	vmmov vm2;
	[tilespmem:v33+s22+$0x0] =	vst.idx.msk @!p2 vm1, v30;
	p6 =	por p5, p5;
	s22 =	simm.s32 @!p5 $0xC200;
	v22 =	vld.idx.msk [tilespmem:v7+s15+$0x0 ss:$0x1], $0xffff;
	s6 =	simm.s32 @p1 $0x1;
	v35 =	vadd.s32 @!p0 v27, v28;
	v27, _, _ =	vpop @!p4 (xrf0)  }
0x119: {  	vm2 =	vmmov vm0;
	s15 =	simm.s32 @!p3 $0xC280;
	s26 =	spop @!p3 (v2sf);
	(v2sf) =	vpush v25, $0xF;
	v25 =	vld.idx.msk [tilespmem:v7+s24+$0x0 ss:$0x1], $0xffff;
	[smem:$0x7FC] =	sst s6;
	v30 =	vxor.u32 @!p4 $0x80000000, v27  }
0x11a: {  	vm1 =	vmmov vm11;
	vm7 =	vmand @!p1 vm7, vm8;
	vm8 =	vlt.s32 @!p0 v29, $0x10;
	s29 =	spop @!p3 (v2sf);
	p3 =	seq.s32 s25, $0x1;
	s25 =	simm.s32 @!p5 $0xC180;
	[tilespmem:v34+s1+$0x0] =	vst.idx.msk @!p1 vm4, v20  }
0x11b: {  	vm0 =	vmmov vm9;
	v37 =	vlaneseq.u32 @!p5;
	vm5 =	vmand @!p0 vm5, vm8;
	s18 =	simm.s32 @!p3 $0xC180;
	s17 =	simm.s32 @!p3 $0xC200;
	v33, _, _ =	vpop @!p4 (xrf0);
	s1 =	sld [smem:$0x7FD]  }
0x11c: {  	v36 =	vlaneseq.u32 @!p4;
	v24 =	vor.u32 @!p6 s2, v37;
	s2 =	simm.s32 @!p3 $0xC280;
	s24 =	simm.s32 @!p4 $0xC200;
	s13 =	sadd.s32 @!p0 s29, s4;
	v37 =	vxor.u32 @!p4 $0x80000000, v33;
	(xrf0) =	vmax.scan.msk.u32 @!p4 $0xffff, v30;
	v30, _, _ =	vpop @!p5 (xrf0)  }
0x11d: {  	v63 =	vsub.f32 v22, v9;
	v28 =	vor.u32 @!p4 s12, v36;
	s12 =	simm.s32 @!p5 $0xC280;
	s29 =	sadd.s32 @!p0 $0x80000000, s13;
	s21 =	spop @!p3 (v2sf);
	(xrf0) =	vmax.scan.msk.u32 @!p4 $0xffff, v37;
	v38 =	vxor.u32 @!p6 $0x80000000, v30;
	v34, _, _ =	vpop @!p5 (xrf0)  }
0x11e: {  	vm8 =	vmmov vm3;
	vm3 =	vmmov vm12;
	s28 =	spop @!p3 (v2sf);
	p3 =	seq.s32 s1, $0x1;
	s1 =	sadd.s32 @!p0 s26, s3;
	v39 =	vxor.u32 @!p6 $0x80000000, v34;
	(xrf0) =	vmax.scan.msk.u32 @!p6 $0xffff, v38  }
0x11f: {  	v36 =	vmul.f32 v63, v8;
	s13 =	simm.s32 $0x90;
	vm4 =	vmmov vm10;
	v37 =	vsub.f32 v25, v9;
	p2 =	por p3, p3;
	s26 =	sadd.s32 @!p0 $0x80000000, s1;
	(xrf0) =	vmax.scan.msk.u32 @!p6 $0xffff, v39  }
.LBB2_12:
0x120: {  	s1 =	sld [smem:$0x7FC];
	_ =	sdelay $0x2  }
0x121: {  	p3 =	seq.s32 s1, $0x1  }
0x122: {  	p1 =	por p4, p4;
	[tilespmem:v26+s30+$0x0] =	vst.idx.msk @!p3 vm7, v11  }
0x123: {  	[tilespmem:v26+s5+$0x0] =	vst.idx.msk @!p3 vm7, v20;
	v26, _, _ =	vpop @!p1 (xrf0)  }
0x124: {  	(v2sf) =	vpush @!p1 v26, $0xF;
	v26, _, _ =	vpop @!p1 (xrf0)  }
0x125: {  	s20 =	sadd.s32 $0x2, s20;
	(v2sf) =	vpush @!p1 v26, $0xF  }
0x126: {  	s26 =	smov.u32 @p0 s3;
	s29 =	smov.u32 @p0 s4;
	s19 =	sadd.s32 $0x20, s19  }
0x127: {  	[tilespmem:v35+s16+$0x0] =	vst.idx.msk @!p0 vm8, v21;
	s0 =	sadd.s32 $0x100, s0;
	v36 =	vmin.f32 v36, $4.095000000e+03;
	p4 =	slt.u32 s20, $0xFE;
	s4 =	sadd.s32 @!p2 s28, s29  }
0x128: {  	v37 =	vmul.f32 v37, v8;
	[tilespmem:v29+s14+$0x0] =	vst.idx.msk @!p0 vm5, v14;
	s14 =	smov.u32 s24;
	s6 =	sand.u32 $0x7C00, s0;
	v36 =	vtrunc.f32 v36;
	s1 =	simm.s32 @!p4 $0x0  }
0x129: {  	s4 =	sadd.s32 @!p2 $0x80000000, s4;
	[tilespmem:v29+s15+$0x0] =	vst.idx.msk @!p0 vm5, v21;
	s15 =	smov.u32 s23;
	v11 =	vmov v10;
	v10 =	vmov v12;
	s1 =	simm.s32 @p4 $0x1;
	v12 =	vmov v15;
	v20, _, _ =	vpop @!p5 (xrf0)  }
0x12a: {  	v15 =	vmov v25;
	v25 =	vcvt.f32.s32 v36;
	s23 =	spop (v2sf);
	[smem:$0x7FA] =	sst s1;
	s1 =	sadd.s32 @!p2 s21, s26;
	(v2sf) =	vpush @!p6 v20, $0xF;
	v20, _, _ =	vpop @!p5 (xrf0)  }
0x12b: {  	v38 =	vmov @!p2 s26;
	v40 =	vmin.f32 v37, $4.095000000e+03;
	s4 =	smov.u32 @p2 s29;
	s3 =	sadd.s32 @!p2 $0x80000000, s1;
	s1 =	simm.s32 @!p5 $0x0;
	(v2sf) =	vpush @!p6 v20, $0xF  }
0x12c: {  	v39 =	vmov @!p2 s29;
	v37 =	vtrunc.f32 v40;
	s24 =	sxor.u32 $0x80000000, s23;
	s5 =	smov.u32 s2;
	v60 =	vxor.u32 $0x80000000, v25;
	s1 =	simm.s32 @p5 $0x1  }
0x12d: {  	v35 =	vadd.s32 @!p2 $0xFFFFFFFF, v39;
	v61 =	vcvt.f32.s32 v37;
	v37 =	vmov @!p1 s4;
	s2 =	smov.u32 s12;
	s3 =	smov.u32 @p2 s26;
	(xrf0) =	vmin.scan.msk.u32 $0xffff, v60;
	[smem:$0x7F9] =	sst s1  }
0x12e: {  	v38 =	vadd.s32 @!p2 $0xFFFFFFFF, v38;
	v29 =	vadd.s32 @!p1 $0xFFFFFFFF, v37;
	s1 =	smov.u32 s18;
	s18 =	smov.u32 s25;
	v21 =	vmov @!p1 s3;
	s25 =	spop (v2sf)  }
0x12f: {  	v14 =	vmovc v13;
	v35 =	vbroadcast @!p2 v35, $0x0;
	s21 =	sadd.s32 $0xFFFFFFF0, s19;
	p4 =	sgt.s32 s24, s8;
	v26 =	vxor.u32 $0x80000000, v61;
	v29 =	vbroadcast @!p1 v29, $0x0;
	s12 =	sxor.u32 $0x80000000, s25  }
0x130: {  	v13 =	vmovc v16;
	v16 =	vmovc v22;
	s28 =	sand.u32 $0x70, s19;
	vm10 =	vgt.s32 @!p4 v17, v31;
	v22 =	vimm.s32 @!p4 $0x0;
	vm11 =	veq.s32 @!p4 v17, v31;
	s26 =	sand.u32 $0x60, s21;
	p5 =	sgt.s32 s12, s8  }
0x131: {  	v36 =	vlaneseq.u32 @!p4;
	(xrf0) =	vmin.scan.msk.u32 $0xffff, v26;
	v37 =	vadd.s32 @!p1 $0xFFFFFFFF, v21;
	v21 =	vmovc v28;
	v28 =	vbroadcast @!p2 v38, $0x0;
	s12 =	sor.u32 s26, s6;
	s26 =	sadd.s32 s28, s6;
	s6 =	sld [smem:$0x7F9]  }
0x132: {  	p0 =	por p1, p1;
	p3 =	por p2, p2;
	v31 =	vmovc v25;
	v26 =	vadd.s32 @!p2 v35, v23;
	v35 =	vsel @!p4 vm10, $0x1, v22;
	v22 =	vsel @!p4 vm11, $0x1, v22  }
0x133: {  	v20 =	vmov v18;
	v25, _, _ =	vpop (xrf0);
	v38 =	vadd.s32 @!p3 v28, v19;
	v28 =	vor.u32 @!p4 s10, v36;
	s10 =	smov.u32 s9;
	s9 =	smov.u32 s21;
	s21 =	spop @!p1 (v2sf)  }
0x134: {  	v18 =	vmovc v24;
	(xrf0) =	vadd.scan.msk.s32 @!p4 $0xffff, v35;
	(v2sf) =	vpush v25, $0xF;
	vm9 =	vgt.s32 @!p5 v17, v32;
	v24 =	vimm.s32 @!p5 $0x0;
	v25 =	vld.idx.msk [tilespmem:v7+s26+$0x0 ss:$0x1], $0xffff;
	s26 =	spop @!p1 (v2sf);
	p1 =	seq.s32 s6, $0x1;
	s6 =	simm.s32 @!p3 $0x0  }
0x135: {  	(xrf0) =	vadd.scan.msk.s32 @!p4 $0xffff, v22;
	vm12 =	veq.s32 @!p5 v17, v32;
	v35 =	vsel @!p5 vm9, $0x1, v24;
	s6 =	simm.s32 @p3 $0x1  }
0x136: {  	v24 =	vsel @!p5 vm12, $0x1, v24;
	(xrf0) =	vadd.scan.msk.s32 @!p5 $0xffff, v35;
	[smem:$0x7FC] =	sst s6  }
0x137: {  	v29 =	vadd.s32 @!p0 v29, v33;
	v33 =	vbroadcast @!p0 v37, $0x0;
	v62, _, _ =	vpop (xrf0);
	(xrf0) =	vadd.scan.msk.s32 @!p5 $0xffff, v24;
	s6 =	sld [smem:$0x7FA]  }
0x138: {  	vm8 =	vmmov vm1;
	vm1 =	vmmov vm10;
	vm7 =	vlt.s32 @!p2 v26, $0x10;
	v22 =	vld.idx.msk [tilespmem:v7+s12+$0x0 ss:$0x1], $0xffff  }
0x139: {  	v23 =	vmovc v34;
	vm5 =	vlt.s32 @!p0 v29, $0x10;
	vm7 =	vmand @!p3 vm6, vm7;
	vm6 =	vmmov vm3;
	s28 =	sadd.s32 @!p0 s21, s3;
	s29 =	sadd.s32 @!p0 s26, s4;
	s21 =	spop @!p1 (v2sf)  }
0x13a: {  	vm5 =	vmand @!p0 vm4, vm5;
	vm4 =	vmmov vm11;
	v35 =	vadd.s32 @!p0 v33, v27;
	v27, _, _ =	vpop @!p4 (xrf0);
	s26 =	sadd.s32 @!p0 $0x80000000, s28;
	s28 =	spop @!p1 (v2sf);
	p1 =	seq.s32 s6, $0x1  }
.Ltmp4:
0x13b: {  	s16 =	smov.u32 s31;
	s30 =	smov.u32 s17;
	v19 =	vmov v30;
	(v2sf) =	vpush v62, $0xF;
	v37 =	vxor.u32 @!p4 $0x80000000, v27;
	v33, _, _ =	vpop @!p4 (xrf0);
	(pc) =	sbr.rel @p1 .LBB2_12-.Ltmp4, $4  }
0x13c: {  	s17 =	smov.u32 s22;
	p2 =	por p6, p6;
	p6 =	por p5, p5;
	vm3 =	vmmov vm12;
	[tilespmem:v38+s1+$0x0] =	vst.idx.msk @!p3 vm2, v20;
	v40 =	vxor.u32 @!p4 $0x80000000, v33;
	(xrf0) =	vmax.scan.msk.u32 @!p4 $0xffff, v37;
	v30, _, _ =	vpop @!p5 (xrf0)  }
0x13d: {  	s31 =	simm.s32 @!p4 $0xC180;
	s24 =	simm.s32 @!p4 $0xC200;
	s23 =	simm.s32 @!p4 $0xC280;
	vm2 =	vmmov vm0;
	v63 =	vsub.f32 v22, v9;
	(xrf0) =	vmax.scan.msk.u32 @!p4 $0xffff, v40;
	v39 =	vxor.u32 @!p6 $0x80000000, v30;
	v34, _, _ =	vpop @!p5 (xrf0)  }
0x13e: {  	s25 =	simm.s32 @!p5 $0xC180;
	s22 =	simm.s32 @!p5 $0xC200;
	s12 =	simm.s32 @!p5 $0xC280;
	vm0 =	vmmov vm9;
	v24 =	vlaneseq.u32 @!p5;
	v40 =	vxor.u32 @!p6 $0x80000000, v34;
	(xrf0) =	vmax.scan.msk.u32 @!p6 $0xffff, v39  }
0x13f: {  	v32 =	vmovc v61;
	v24 =	vor.u32 @!p6 s11, v24;
	s11 =	smov.u32 s13;
	s13 =	smov.u32 s19;
	v37 =	vsub.f32 v25, v9;
	v36 =	vmul.f32 v63, v8;
	s29 =	sadd.s32 @!p0 $0x80000000, s29;
	(xrf0) =	vmax.scan.msk.u32 @!p6 $0xffff, v40  }
0x140: {  	_ = 	snop  }
0x141: {  	v7 =	vmin.f32 v36, $4.095000000e+03  }
0x142: {  	v7 =	vtrunc.f32 v7  }
0x143: {  	v7 =	vcvt.f32.s32 v7;
	_ =	sdelay $0x1  }
0x144: {  	v9 =	vxor.u32 $0x80000000, v7  }
0x145: {  	(xrf0) =	vmin.scan.msk.u32 $0xffff, v9;
	_ =	sdelay $0x1  }
0x146: {  	v9, _, _ =	vpop @!p4 (xrf0)  }
0x147: {  	(v2sf) =	vpush @!p4 v9, $0xF;
	v9, _, _ =	vpop @!p4 (xrf0)  }
0x148: {  	(v2sf) =	vpush @!p4 v9, $0xF;
	v9, _, _ =	vpop @!p5 (xrf0)  }
0x149: {  	v8 =	vmul.f32 v37, v8;
	(v2sf) =	vpush @!p6 v9, $0xF;
	v9, _, _ =	vpop @!p5 (xrf0)  }
0x14a: {  	s0 =	spop (v2sf);
	(v2sf) =	vpush @!p6 v9, $0xF;
	v54, _, _ =	vpop (xrf0)  }
0x14b: {  	v8 =	vmin.f32 v8, $4.095000000e+03;
	s0 =	sxor.u32 $0x80000000, s0;
	(v2sf) =	vpush v54, $0xF  }
0x14c: {  	v8 =	vtrunc.f32 v8;
	p3 =	sgt.s32 s0, s8  }
0x14d: {  	v56 =	vimm.s32 $0x0;
	v8 =	vcvt.f32.s32 v8;
	vm9 =	vgt.s32 @!p3 v17, v31  }
0x14e: {  	v36 =	vsel vm9, $0xFFFFFFFF, v56  }
0x14f: {  	s0 =	simm.s32 @!p3 $0x0;
	v53 =	vxor.u32 $0x80000000, v8;
	[tilespmem:$0x1FFE0] =	vst v36;
	v36 =	vimm.s32 @!p3 $0x0  }
0x150: {  	s0 =	simm.s32 @p3 $0x1;
	(xrf0) =	vmin.scan.msk.u32 $0xffff, v53;
	s6 =	spop (v2sf);
	v9 =	vsel @!p3 vm9, $0x1, v36  }
0x151: {  	vm13 =	veq.s32 @!p3 v17, v31;
	[smem:$0x7EF] =	sst s0;
	s0 =	sxor.u32 $0x80000000, s6;
	(xrf0) =	vadd.scan.msk.s32 @!p3 $0xffff, v9  }
0x152: {  	v31 =	vsel @!p3 vm13, $0x1, v36;
	p1 =	sgt.s32 s0, s8  }
0x153: {  	vm11 =	vgt.s32 @!p1 v17, v32;
	v36 =	vimm.s32 @!p1 $0x0;
	(xrf0) =	vadd.scan.msk.s32 @!p3 $0xffff, v31  }
0x154: {  	v9 =	vsel @!p1 vm11, $0x1, v36  }
0x155: {  	(xrf0) =	vadd.scan.msk.s32 @!p1 $0xffff, v9  }
0x156: {  	v55, _, _ =	vpop (xrf0);
	s1 =	spop @!p4 (v2sf)  }
0x157: {  	vm12 =	veq.s32 @!p1 v17, v32;
	v32, _, _ =	vpop @!p3 (xrf0);
	s19 =	spop @!p4 (v2sf)  }
0x158: {  	v31 =	vsel @!p1 vm12, $0x1, v36;
	v9 =	vxor.u32 @!p3 $0x80000000, v32;
	s0 =	spop @!p5 (v2sf)  }
0x159: {  	(xrf0) =	vadd.scan.msk.s32 @!p1 $0xffff, v31;
	v37, _, _ =	vpop @!p3 (xrf0);
	s20 =	spop @!p5 (v2sf)  }
0x15a: {  	v31 =	vxor.u32 @!p3 $0x80000000, v37;
	(xrf0) =	vmax.scan.msk.u32 @!p3 $0xffff, v9;
	p3 =	por p1, p1;
	s6 =	spop (v2sf)  }
0x15b: {  	(v2sf) =	vpush v55, $0xF;
	v9, _, _ =	vpop @!p1 (xrf0);
	[smem:$0x7EC] =	sst s2;
	s2 =	simm.s32 @!p1 $0x0;
	s6 =	sxor.u32 $0x80000000, s6  }
0x15c: {  	p5 =	por p1, p1;
	s2 =	simm.s32 @p1 $0x1;
	p1 =	sgt.s32 s6, s8  }
0x15d: {  	[smem:$0x7F5] =	sst s2;
	s6 =	simm.s32 @!p1 $0x0  }
0x15e: {  	s2 =	sld [smem:$0x7EC];
	s6 =	simm.s32 @p1 $0x1  }
0x15f: {  	[smem:$0x7F6] =	sst s6;
	s6 =	simm.s32 @!p5 $0x0  }
0x160: {  	s6 =	simm.s32 @p5 $0x1  }
0x161: {  	[smem:$0x7ED] =	sst s6  }
0x162: {  	s6 =	sld [smem:$0x7EF];
	_ =	sdelay $0x2  }
0x163: {  	v36 =	vxor.u32 @!p5 $0x80000000, v9;
	p1 =	por p5, p5;
	p5 =	seq.s32 s6, $0x1;
	s6 =	sld [smem:$0x7F6]  }
0x164: {  	_ =	sdelay $0x1  }
0x165: {  	(xrf0) =	vmax.scan.msk.u32 @!p5 $0xffff, v31;
	v31, _, _ =	vpop @!p3 (xrf0);
	p5 =	seq.s32 s6, $0x1  }
0x166: {  	v38 =	vxor.u32 @!p1 $0x80000000, v31;
	(xrf0) =	vmax.scan.msk.u32 @!p1 $0xffff, v36;
	vm14 =	vgt.s32 @!p5 v17, v7;
	v36 =	vimm.s32 @!p5 $0x0  }
0x167: {  	(xrf0) =	vmax.scan.msk.u32 @!p1 $0xffff, v38;
	vm15 =	veq.s32 @!p5 v17, v7;
	v38 =	vsel @!p5 vm14, $0x1, v36  }
0x168: {  	v7 =	vsel @!p5 vm15, $0x1, v36;
	(xrf0) =	vadd.scan.msk.s32 @!p5 $0xffff, v38  }
0x169: {  	s6 =	spop (v2sf);
	(xrf0) =	vadd.scan.msk.s32 @!p5 $0xffff, v7;
	[smem:$0x7EC] =	sst s0  }
0x16a: {  	s0 =	sld [smem:$0x7EF];
	_ =	sdelay $0x2  }
0x16b: {  	s6 =	sxor.u32 $0x80000000, s6;
	p3 =	seq.s32 s0, $0x1;
	s0 =	sld [smem:$0x7EC]  }
0x16c: {  	p1 =	sgt.s32 s6, s8;
	s8 =	sld [smem:$0x7F5]  }
0x16d: {  	v57 =	vimm.s32 $0x0;
	vm9 =	vgt.s32 @!p1 v17, v8  }
0x16e: {  	v36 =	vsel vm9, $0xFFFFFFFF, v57;
	v7, _, _ =	vpop @!p3 (xrf0)  }
0x16f: {  	[tilespmem:$0x1FFF0] =	vst v36;
	v36 =	vimm.s32 @!p1 $0x0;
	v38, _, _ =	vpop @!p3 (xrf0);
	p3 =	seq.s32 s8, $0x1;
	s8 =	sld [smem:$0x7EF]  }
0x170: {  	vm10 =	veq.s32 @!p1 v17, v8;
	v41 =	vsel @!p1 vm9, $0x1, v36;
	v39, _, _ =	vpop @!p3 (xrf0)  }
0x171: {  	s6 =	simm.s32 @!p1 $0x0;
	v8 =	vsel @!p1 vm10, $0x1, v36;
	(xrf0) =	vadd.scan.msk.s32 @!p1 $0xffff, v41;
	v40, _, _ =	vpop @!p3 (xrf0)  }
0x172: {  	s6 =	simm.s32 @p1 $0x1;
	(xrf0) =	vadd.scan.msk.s32 @!p1 $0xffff, v8;
	p3 =	por p1, p1;
	v17, _, _ =	vpop @!p5 (xrf0);
	p1 =	seq.s32 s8, $0x1  }
0x173: {  	v36, _, _ =	vpop @!p5 (xrf0);
	(v2sf) =	vpush @!p1 v7, $0xF  }
0x174: {  	v7 =	vxor.u32 @!p5 $0x80000000, v36;
	(v2sf) =	vpush @!p1 v38, $0xF  }
0x175: {  	s29 =	smov.u32 @p0 s4;
	s8 =	sld [smem:$0x7ED];
	v8 =	vxor.u32 @!p5 $0x80000000, v17  }
0x176: {  	s4 =	sadd.s32 @!p2 s28, s29;
	(xrf0) =	vmax.scan.msk.u32 @!p5 $0xffff, v8  }
0x177: {  	[smem:$0x7F7] =	sst s6;
	s6 =	sadd.s32 @!p2 $0x80000000, s4;
	(xrf0) =	vmax.scan.msk.u32 @!p5 $0xffff, v7;
	v7, _, _ =	vpop @!p3 (xrf0)  }
0x178: {  	s6 =	smov.u32 @p2 s29;
	p1 =	seq.s32 s8, $0x1;
	v8, _, _ =	vpop @!p3 (xrf0);
	p3 =	por p4, p4  }
0x179: {  	(v2sf) =	vpush @!p1 v39, $0xF;
	s4 =	sadd.s32 @!p3 s19, s6  }
0x17a: {  	(v2sf) =	vpush @!p1 v40, $0xF;
	s8 =	sadd.s32 @!p3 $0x80000000, s4;
	s4 =	simm.s32 @!p3 $0x0  }
0x17b: {  	s4 =	simm.s32 @p3 $0x1  }
0x17c: {  	p1 =	por p6, p6;
	v38, _, _ =	vpop @!p5 (xrf0);
	s8 =	smov.u32 @p3 s6;
	[smem:$0x7F2] =	sst s4  }
0x17d: {  	(v2sf) =	vpush @!p5 v38, $0xF;
	v38, _, _ =	vpop @!p5 (xrf0);
	s4 =	sadd.s32 @!p1 s20, s8;
	s20 =	sld [smem:$0x7EF]  }
0x17e: {  	(v2sf) =	vpush @!p5 v38, $0xF;
	v38 =	vmov @!p2 s29;
	s29 =	sld [smem:$0x7ED]  }
0x17f: {  	s26 =	smov.u32 @p0 s3;
	s28 =	sld [smem:$0x7F5]  }
0x180: {  	v39 =	vmov @!p4 s6;
	s6 =	sadd.s32 @!p2 s21, s26;
	s19 =	sadd.s32 @!p1 $0x80000000, s4;
	v38 =	vadd.s32 @!p2 $0xFFFFFFFF, v38;
	p3 =	seq.s32 s20, $0x1  }
0x181: {  	s19 =	smov.u32 @p1 s8;
	v38 =	vbroadcast @!p2 v38, $0x0;
	p5 =	seq.s32 s29, $0x1;
	p6 =	por p3, p3  }
0x182: {  	s29 =	sld [smem:$0x7ED];
	s3 =	simm.s32 @!p6 $0x0;
	s4 =	spop @!p3 (v2sf)  }
0x183: {  	v38 =	vadd.s32 @!p2 v38, v23;
	v23 =	vlaneseq.u32 @!p3;
	s3 =	simm.s32 @p6 $0x1;
	s20 =	spop @!p3 (v2sf);
	p3 =	por p2, p2  }
0x184: {  	[smem:$0x7F0] =	sst s3;
	s3 =	sadd.s32 @!p6 s20, s19;
	s21 =	simm.s32 @!p3 $0x0  }
0x185: {  	p5 =	por p5, p5;
	s20 =	sadd.s32 @!p6 $0x80000000, s3;
	s21 =	simm.s32 @p3 $0x1  }
0x186: {  	s20 =	smov.u32 @p6 s19;
	p6 =	seq.s32 s28, $0x1;
	s28 =	sld [smem:$0x7EF]  }
0x187: {  	[smem:$0x7F1] =	sst s21;
	s21 =	simm.s32 @!p5 $0x0  }
0x188: {  	s6 =	sadd.s32 @!p2 $0x80000000, s6;
	s3 =	spop @!p6 (v2sf);
	s21 =	simm.s32 @p5 $0x1  }
0x189: {  	v41 =	vlaneseq.u32 @!p6;
	[smem:$0x7EE] =	sst s21;
	s21 =	spop @!p6 (v2sf);
	p6 =	seq.s32 s28, $0x1  }
0x18a: {  	v40 =	vmov @!p2 s26;
	s6 =	smov.u32 @p2 s26;
	s26 =	sld [smem:$0x7F2];
	v42 =	vor.u32 @!p6 s10, v23;
	p6 =	seq.s32 s29, $0x1  }
0x18b: {  	v23 =	vor.u32 @!p6 s11, v41;
	s11 =	sld [smem:$0x7F1]  }
0x18c: {  	s28 =	sld [smem:$0x7F6]  }
0x18d: {  	s29 =	sld [smem:$0x7EF]  }
0x18e: {  	v39 =	vadd.s32 @!p4 $0xFFFFFFFF, v39;
	vm9 =	vlt.s32 @!p2 v38, $0x10;
	s10 =	sadd.s32 @!p5 s21, s20;
	s21 =	sld [smem:$0x7F6];
	p6 =	seq.s32 s11, $0x1  }
0x18f: {  	v39 =	vbroadcast @!p4 v39, $0x0;
	p3 =	seq.s32 s28, $0x1;
	vm6 =	vmand @!p6 vm6, vm9;
	p6 =	seq.s32 s26, $0x1  }
0x190: {  	s11 =	sadd.s32 @!p6 s1, s6;
	s1 =	spop @!p3 (v2sf);
	p3 =	seq.s32 s29, $0x1  }
0x191: {  	v33 =	vadd.s32 @!p6 v39, v33;
	v39 =	vmov @!p1 s8;
	s8 =	sadd.s32 @!p5 $0x80000000, s10;
	v43 =	vmov @!p3 s19;
	p3 =	seq.s32 s21, $0x1  }
0x192: {  	s8 =	smov.u32 @p5 s20;
	p5 =	por p3, p3  }
0x193: {  	s19 =	simm.s32 @!p5 $0x0  }
0x194: {  	s28 =	sld [smem:$0x7F7];
	s19 =	simm.s32 @p5 $0x1  }
0x195: {  	[smem:$0x7F3] =	sst s19  }
0x196: {  	s19 =	sld [smem:$0x7F3]  }
0x197: {  	v40 =	vadd.s32 @!p2 $0xFFFFFFFF, v40;
	v41 =	vmov @!p4 s6  }
0x198: {  	v40 =	vbroadcast @!p2 v40, $0x0;
	v41 =	vadd.s32 @!p4 $0xFFFFFFFF, v41;
	p2 =	seq.s32 s28, $0x1;
	p4 =	por p6, p6;
	vm9 =	vlt.s32 @!p6 v33, $0x10  }
0x199: {  	s11 =	sadd.s32 @!p6 $0x80000000, s11;
	s10 =	spop @!p3 (v2sf);
	vm9 =	vmand @!p6 vm4, vm9;
	p6 =	seq.s32 s19, $0x1  }
0x19a: {  	p2 =	por p2, p2;
	s10 =	sadd.s32 @!p6 s10, s8  }
0x19b: {  	s11 =	smov.u32 @p4 s6;
	s6 =	sadd.s32 @!p6 $0x80000000, s10;
	s10 =	simm.s32 @!p2 $0x0  }
0x19c: {  	s10 =	simm.s32 @p2 $0x1;
	p2 =	por p2, p2  }
0x19d: {  	v45 =	vmov @!p3 s8;
	s6 =	smov.u32 @p6 s8;
	s8 =	simm.s32 @!p2 $0x0  }
0x19e: {  	[smem:$0x7F8] =	sst s10;
	s8 =	simm.s32 @p2 $0x1  }
0x19f: {  	[smem:$0x7F4] =	sst s8  }
0x1a0: {  	s8 =	sld [smem:$0x7F1]  }
0x1a1: {  	v41 =	vbroadcast @!p4 v41, $0x0;
	s10 =	sld [smem:$0x7FC];
	_ =	sdelay $0x1  }
0x1a2: {  	v27 =	vadd.s32 @!p4 v41, v27;
	p4 =	seq.s32 s8, $0x1  }
0x1a3: {  	s29 =	sld [smem:$0x7EF];
	s0 =	sadd.s32 @!p1 s0, s11;
	v19 =	vadd.s32 @!p4 v40, v19;
	p4 =	seq.s32 s10, $0x1  }
0x1a4: {  	s26 =	sld [smem:$0x7EE];
	s0 =	sadd.s32 @!p1 $0x80000000, s0;
	[tilespmem:v26+s30+$0x0] =	vst.idx.msk @!p4 vm7, v11  }
0x1a5: {  	v47 =	vmov @!p1 s11;
	s0 =	smov.u32 @p1 s11;
	s11 =	sld [smem:$0x7F0];
	[tilespmem:v26+s5+$0x0] =	vst.idx.msk @!p4 vm7, v20  }
0x1a6: {  	p6 =	seq.s32 s29, $0x1;
	[tilespmem:v35+s16+$0x0] =	vst.idx.msk @!p0 vm8, v21  }
0x1a7: {  	v43 =	vadd.s32 @!p6 $0xFFFFFFFF, v43;
	[tilespmem:v29+s14+$0x0] =	vst.idx.msk @!p0 vm5, v14  }
0x1a8: {  	v39 =	vadd.s32 @!p1 $0xFFFFFFFF, v39;
	v43 =	vbroadcast @!p6 v43, $0x0;
	[tilespmem:v29+s15+$0x0] =	vst.idx.msk @!p0 vm5, v21  }
0x1a9: {  	v39 =	vbroadcast @!p1 v39, $0x0;
	v46 =	vmov @!p2 s6;
	p2 =	por p6, p6;
	p6 =	seq.s32 s11, $0x1;
	s5 =	sld [smem:$0x7F1]  }
0x1aa: {  	vm4 =	vmmov vm1;
	v11 =	vadd.s32 @!p6 v43, v37;
	v37 =	vmov @!p2 s0  }
0x1ab: {  	vm1 =	vmmov vm3;
	v26 =	vadd.s32 @!p1 $0xFFFFFFFF, v47;
	v20 =	vadd.s32 @!p2 $0xFFFFFFFF, v37  }
0x1ac: {  	v34 =	vadd.s32 @!p1 v39, v34;
	v26 =	vbroadcast @!p1 v26, $0x0;
	v20 =	vbroadcast @!p6 v20, $0x0;
	p0 =	seq.s32 s5, $0x1  }
0x1ad: {  	vm3 =	vlt.s32 @!p1 v34, $0x10;
	vm8 =	vmmov vm12;
	vm12 =	vmmov vm0;
	p1 =	por p1, p1;
	[tilespmem:v19+s18+$0x0] =	vst.idx.msk @!p0 vm2, v18  }
0x1ae: {  	v14 =	vadd.s32 @!p6 v20, v32;
	v20 =	vadd.s32 @!p1 v26, v30;
	v19 =	vld [tilespmem:$0x1FFE0];
	[tilespmem:v38+s17+$0x0] =	vst.idx.msk @!p0 vm6, v10  }
0x1af: {  	[tilespmem:v38+s2+$0x0] =	vst.idx.msk @!p0 vm6, v18  }
0x1b0: {  	s2 =	sld [smem:$0x7F2];
	_ =	sdelay $0x2  }
0x1b1: {  	vm3 =	vmand @!p1 vm1, vm3;
	p0 =	seq.s32 s2, $0x1;
	[tilespmem:v20+s25+$0x0] =	vst.idx.msk @!p1 vm12, v24  }
0x1b2: {  	[tilespmem:v27+s31+$0x0] =	vst.idx.msk @!p0 vm4, v28  }
0x1b3: {  	s4 =	sadd.s32 @!p6 s4, s0;
	[tilespmem:v33+s24+$0x0] =	vst.idx.msk @!p0 vm9, v13  }
0x1b4: {  	vm7 =	vmmov vm13;
	s4 =	sadd.s32 @!p6 $0x80000000, s4;
	vm13 =	vnez.u8 v19;
	[tilespmem:v33+s23+$0x0] =	vst.idx.msk @!p0 vm9, v28  }
0x1b5: {  	p5 =	seq.s32 s26, $0x1;
	vm1 =	vlt.s32 @!p6 v11, $0x10;
	s4 =	smov.u32 @p6 s0;
	vm2 =	vmmov vm13;
	s15 =	sld [smem:$0x7F3]  }
0x1b6: {  	vm1 =	vmand @!p6 vm7, vm1;
	s0 =	sadd.s32 @!p5 s3, s4;
	vm7 =	vmmov vm2  }
0x1b7: {  	s0 =	sadd.s32 @!p5 $0x80000000, s0;
	[tilespmem:v34+s22+$0x0] =	vst.idx.msk @!p1 vm3, v12  }
0x1b8: {  	p4 =	por p2, p2;
	s0 =	smov.u32 @p5 s4;
	[tilespmem:v34+s12+$0x0] =	vst.idx.msk @!p1 vm3, v24;
	p2 =	seq.s32 s15, $0x1  }
0x1b9: {  	v44 =	vmov @!p5 s20;
	s16 =	sld [smem:$0x7F4];
	s1 =	sadd.s32 @!p2 s1, s0  }
0x1ba: {  	v18 =	vadd.s32 @!p5 $0xFFFFFFFF, v44;
	s1 =	sadd.s32 @!p2 $0x80000000, s1  }
0x1bb: {  	v10 =	vmov @!p5 s4;
	v18 =	vbroadcast @!p5 v18, $0x0;
	v13 =	vmov @!p3 s0;
	p1 =	por p4, p4;
	s1 =	smov.u32 @p2 s0;
	s0 =	simm.s32 @!p4 $0xC180  }
0x1bc: {  	v10 =	vadd.s32 @!p5 $0xFFFFFFFF, v10;
	p4 =	seq.s32 s16, $0x1;
	[tilespmem:v14+s0+$0x0] =	vst.idx.msk @!p6 vm7, v42;
	s0 =	simm.s32 @!p1 $0xC200  }
0x1bd: {  	v10 =	vbroadcast @!p5 v10, $0x0;
	v18 =	vadd.s32 @!p5 v18, v31;
	v14 =	vmov @!p4 s1;
	s1 =	simm.s32 @!p1 $0xC280;
	[tilespmem:v11+s0+$0x0] =	vst.idx.msk @!p6 vm1, v16  }
0x1be: {  	vm11 =	vmmov vm11;
	vm4 =	vmmov vm8;
	vm8 =	vlt.s32 @!p5 v18, $0x10;
	p0 =	por p5, p5;
	[tilespmem:v11+s1+$0x0] =	vst.idx.msk @!p6 vm1, v42  }
0x1bf: {  	vm4 =	vmand @!p0 vm4, vm8;
	v9 =	vadd.s32 @!p0 v10, v9;
	s0 =	sld [smem:$0x7F5];
	_ =	sdelay $0x1  }
0x1c0: {  	v19 =	vadd.s32 @!p3 $0xFFFFFFFF, v45  }
0x1c1: {  	v19 =	vbroadcast @!p3 v19, $0x0;
	v13 =	vadd.s32 @!p3 $0xFFFFFFFF, v13;
	p3 =	seq.s32 s0, $0x1  }
0x1c2: {  	s0 =	simm.s32 @!p3 $0xC180  }
0x1c3: {  	v11 =	vld [tilespmem:$0x1FFF0];
	[tilespmem:v9+s0+$0x0] =	vst.idx.msk @!p0 vm11, v23;
	s0 =	simm.s32 @!p3 $0xC200  }
0x1c4: {  	vm14 =	vmmov vm14;
	v12 =	vadd.s32 @!p2 v19, v36;
	v10 =	vbroadcast @!p2 v13, $0x0;
	[tilespmem:v18+s0+$0x0] =	vst.idx.msk @!p0 vm4, v15  }
0x1c5: {  	vm5 =	vmmov vm14;
	vm2 =	vmmov vm15;
	vm3 =	vlt.s32 @!p2 v12, $0x10;
	s1 =	sld [smem:$0x7F6]  }
0x1c6: {  	v10 =	vadd.s32 @!p2 v10, v17;
	vm2 =	vmand @!p2 vm2, vm3;
	_ =	sdelay $0x1  }
0x1c7: {  	s0 =	simm.s32 @!p3 $0xC280;
	p3 =	seq.s32 s1, $0x1  }
0x1c8: {  	v13 =	vadd.s32 @!p4 $0xFFFFFFFF, v46;
	v9 =	vlaneseq.u32 @!p3  }
0x1c9: {  	v13 =	vbroadcast @!p4 v13, $0x0;
	[tilespmem:v18+s0+$0x0] =	vst.idx.msk @!p0 vm4, v23;
	s0 =	simm.s32 @!p3 $0xC180;
	v9 =	vor.u32 @!p3 s9, v9  }
0x1ca: {  	vm15 =	vmmov vm10;
	v14 =	vadd.s32 @!p4 $0xFFFFFFFF, v14;
	vm14 =	vnez.u8 v11;
	[tilespmem:v10+s0+$0x0] =	vst.idx.msk @!p2 vm5, v9;
	s0 =	simm.s32 @!p3 $0xC200  }
0x1cb: {  	v11 =	vadd.s32 @!p4 v13, v8;
	v13 =	vbroadcast @!p4 v14, $0x0;
	vm1 =	vmmov vm14;
	[tilespmem:v12+s0+$0x0] =	vst.idx.msk @!p2 vm2, v22;
	s0 =	simm.s32 @!p3 $0xC280  }
0x1cc: {  	vm0 =	vmmov vm15;
	p1 =	por p4, p4;
	vm3 =	vlt.s32 @!p4 v11, $0x10;
	vm1 =	vmmov vm1;
	s17 =	sld [smem:$0x7F7];
	[tilespmem:v12+s0+$0x0] =	vst.idx.msk @!p2 vm2, v9  }
0x1cd: {  	vm0 =	vmand @!p1 vm0, vm3;
	v13 =	vadd.s32 @!p1 v13, v7;
	s0 =	sld [smem:$0x7F8];
	_ =	sdelay $0x1  }
0x1ce: {  	p3 =	seq.s32 s17, $0x1  }
0x1cf: {  	v10 =	vlaneseq.u32 @!p3;
	p0 =	seq.s32 s0, $0x1  }
0x1d0: {  	s0 =	simm.s32 @!p3 $0xC180;
	v9 =	vor.u32 @!p0 s13, v10  }
0x1d1: {  	[tilespmem:v13+s0+$0x0] =	vst.idx.msk @!p1 vm1, v9;
	s0 =	simm.s32 @!p3 $0xC200  }
0x1d2: {  	[tilespmem:v11+s0+$0x0] =	vst.idx.msk @!p1 vm0, v25;
	s0 =	simm.s32 @!p3 $0xC280  }
0x1d3: {  	[tilespmem:v11+s0+$0x0] =	vst.idx.msk @!p1 vm0, v9  }
0x1d4: {  	v9 =	vld [tilespmem:$0xC200]  }
0x1d5: {  	v58 =	vld [tilespmem:$0xC280];
	_ =	sdelay $0x4  }
0x1d6: {  	(xrf1) =	vsort.ascd.msk.f32 $0xffff, v9, v58;
	_ =	sdelay $0x6  }
0x1d7: {  	s18 =	ssub.s32 $0x20, s7  }
0x1d8: {  	v59 =	vmov s18  }
0x1d9: {  	vm15 =	vgt.s32 v59, v3  }
0x1da: {  	v60 =	vadd.s32 s7, v3;
	_ =	sdelay $0x3  }
0x1db: {  	s19 =	simm.s32 $0xC180;
	s20 =	rddreg [dreg:$0x12];
	_, v10, _ =	vpop (xrf1)  }
0x1dc: {  	s21 =	rddreg [dreg:$0x13];
	[tilespmem:v60+s19+$0x0] =	vst.idx.msk vm15, v10  }
0x1dd: {  	s0 =	sor.u32 s20, s21;
	v9 =	vld [tilespmem:$0xC180]  }
0x1de: {  	v61 =	vmov s0;
	_ =	sdelay $0x3  }
0x1df: {  	s22 =	simm.s32 $0xB000  }
0x1e0: {  	v11 =	vld.idx.msk [tilespmem:v61+s22+$0x0], $0xffff  }
0x1e1: {  	s23 =	simm.s32 $0x8000;
	v12 =	vld [tilespmem:$0xC190]  }
0x1e2: {  	v13 =	vld.idx.msk [tilespmem:v9+s23+$0x0], $0xffff  }
0x1e3: {  	v62 =	vshll.u32 v61, $0x7  }
0x1e4: {  	v63 =	vor.u32 v3, v62;
	_ =	sdelay $0x2  }
0x1e5: {  	s24 =	simm.s32 $0xB080;
	v13 =	vsub.f32 v13, v11  }
0x1e6: {  	s26 =	simm.s32 $0xC300;
	s25 =	simm.s32 $0xB100;
	v16 =	vld.idx.msk [tilespmem:v61+s24+$0x0], $0xffff  }
0x1e7: {  	v10 =	vld.idx.msk [tilespmem:v61+s25+$0x0], $0xffff;
	[tilespmem:v63+s26+$0x0] =	vst.idx.msk $0xffff, v13  }
0x1e8: {  	v13 =	vld.idx.msk [tilespmem:v12+s23+$0x0], $0xffff;
	_ =	sdelay $0x1  }
0x1e9: {  	v14 =	vor.u32 v6, v62;
	_ =	sdelay $0x2  }
0x1ea: {  	v11 =	vsub.f32 v13, v11;
	_ =	sdelay $0x1  }
0x1eb: {  	s28 =	simm.s32 $0x9000;
	[tilespmem:v14+s26+$0x0] =	vst.idx.msk $0xffff, v11  }
0x1ec: {  	v11 =	vld.idx.msk [tilespmem:v9+s28+$0x0], $0xffff;
	_ =	sdelay $0x4  }
0x1ed: {  	v11 =	vsub.f32 v11, v16  }
0x1ee: {  	s29 =	simm.s32 $0xE300  }
0x1ef: {  	v7 =	vxor.u32 @!p0 $0x80000000, v7;
	[tilespmem:v63+s29+$0x0] =	vst.idx.msk $0xffff, v11  }
0x1f0: {  	v8 =	vxor.u32 @!p0 $0x80000000, v8;
	(xrf0) =	vmax.scan.msk.u32 @!p0 $0xffff, v7;
	v7 =	vld.idx.msk [tilespmem:v12+s28+$0x0], $0xffff  }
0x1f1: {  	(xrf0) =	vmax.scan.msk.u32 @!p0 $0xffff, v8;
	_ =	sdelay $0x3  }
0x1f2: {  	v7 =	vsub.f32 v7, v16  }
0x1f3: {  	v8, _, _ =	vpop @!p3 (xrf0)  }
0x1f4: {  	s30 =	simm.s32 $0xA000;
	(v2sf) =	vpush @!p0 v8, $0xF;
	v8, _, _ =	vpop @!p3 (xrf0);
	[tilespmem:v14+s29+$0x0] =	vst.idx.msk $0xffff, v7  }
0x1f5: {  	(v2sf) =	vpush @!p0 v8, $0xF;
	v7 =	vld.idx.msk [tilespmem:v9+s30+$0x0], $0xffff;
	_ =	sdelay $0x4  }
0x1f6: {  	v7 =	vsub.f32 v7, v10  }
0x1f7: {  	s31 =	simm.s32 $0x10300  }
0x1f8: {  	[tilespmem:v63+s31+$0x0] =	vst.idx.msk $0xffff, v7  }
0x1f9: {  	v7 =	vld.idx.msk [tilespmem:v12+s30+$0x0], $0xffff  }
0x1fa: {  	s8 =	sadd.s32 $0x1, s21  }
0x1fb: {  	p0 =	sne.s32 s8, $0x8  }
.Ltmp5:
0x1fc: {  	_ = 	snop;
	(pc) =	sbr.rel @p0 .LBB2_3-.Ltmp5, $4  }
0x1fd: {  	_ = 	snop  }
0x1fe: {  	s6 =	simm.s32 $0x10300;
	s5 =	simm.s32 $0xA000;
	v7 =	vsub.f32 v7, v10  }
0x1ff: {  	s3 =	simm.s32 $0x8000;
	s4 =	simm.s32 $0x9000;
	s0 =	spop @!p3 (v2sf)  }
0x200: {  	s2 =	simm.s32 $0xE300;
	vm13 =	vmmov vm11;
	s1 =	simm.s32 $0xC300;
	s0 =	spop @!p3 (v2sf);
	[tilespmem:v14+s31+$0x0] =	vst.idx.msk $0xffff, v7  }
0x201: {  	s0 =	rddreg [dreg:$0x11]  }
0x202: {  	s0 =	sadd.s32 $0x1, s0  }
0x203: {  	p0 =	sne.s32 s0, $0x8  }
.Ltmp6:
0x204: {  	_ = 	snop;
	(pc) =	sbr.rel @p0 .LBB2_2-.Ltmp6, $2  }
0x205: {  	_ =	sdelay $0x2  }
0x206: {  	s9 =	simm.s32 $0x1  }
0x207: {  	s8 =	simm.s32 $0x0;
	s0 =	rddreg [dreg:$0xc]  }
0x208: {  	[hbm4b:s0+s8] =	stream.linear.scatter [tilespmem:s1], [sflag:$0x1], $0x2000, $0x38;
	[tilespmem:$0x12300] =	vst v63  }
0x209: {  	_ =	swait.ge [sflag:s9], $0x2000  }
0x20a: {  	[sflag:s9] =	ssyncset.done $0x0  }
0x20b: {  	s28 =	rddreg [dreg:$0xd];
	[sflag:s9] =	ssyncadd.s32 $0xFFFFE000  }
0x20c: {  	[hbm4b:s28+s8] =	stream.linear.scatter [tilespmem:s2], [sflag:$0x1], $0x2000, $0x38;
	[tilespmem:$0x12300] =	vst v63  }
0x20d: {  	_ =	swait.ge [sflag:s9], $0x2000  }
0x20e: {  	[sflag:s9] =	ssyncset.done $0x0  }
0x20f: {  	s29 =	rddreg [dreg:$0xe];
	[sflag:s9] =	ssyncadd.s32 $0xFFFFE000  }
0x210: {  	[hbm4b:s29+s8] =	stream.linear.scatter [tilespmem:s6], [sflag:$0x1], $0x2000, $0x38;
	[tilespmem:$0x12300] =	vst v63  }
0x211: {  	_ =	swait.ge [sflag:s9], $0x2000  }
0x212: {  	s30 =	rddreg [dreg:$0x10]  }
0x213: {  	s31 =	rddreg [dreg:$0xf];
	s1 =	sadd.s32 $0x1, s30  }
0x214: {  	p0 =	sne.s32 s1, s31  }
.Ltmp7:
0x215: {  	_ = 	snop;
	(pc) =	sbr.rel @p0 .LBB2_1-.Ltmp7, $3  }
0x216: {  	_ =	sdelay $0x1  }
0x217: {  	[sflag:s9] =	ssyncset.done $0x0  }
0x218: {  	[sflag:s9] =	ssyncadd.s32 $0xFFFFE000  }
0x219: {  	_ =	sfence.sel $0x180000  }
0x21a: {  	[bflag:$0x0] =	sbarrier.arrive $0xFFFF  }
0x21b: {  	_ =	strace $0x90000047  }
0x21c: {  	s0 =	stileid.u32;
	[bflag:$0x2] =	sbarrier.arrive $0xFFFF  }
0x21d: {  	p0 =	sne.s32 s0, $0x0;
	s0 =	rddreg [dreg:$0x2]  }
0x21e: {  	s0 =	sadd.s32 @!p0 $0x100000, s0  }
0x21f: {  	[sflag:s0] =	ssyncadd.tile.s32 @!p0 $0x1;
	_ =	shalt  }
.Lfunc_end2:
_tile_overlayer_lowered:
.L_overlay_start_2:
0x220: {  	(tag) =	ssettag $0x2  }
0x221: {  	s0 =	rddreg [dreg:$0x0];
	s2 =	stileid.u32  }
0x222: {  	s1 =	rddreg [dreg:$0x1];
	p0 =	sne.s32 s2, $0x0  }
0x223: {  	s3 =	rddreg [dreg:$0x2];
	[bflag:$0x3] =	sbarrier.arrive $0xFFFF;
	s2 =	simm.s32 @!p0 $0x1C01  }
0x224: {  	[timem:s3], [sflag:s2] =	dma.local @!p0 [hbm:s0], s1  }
0x225: {  	s0 =	simm.s32 @!p0 $0x1  }
0x226: {  	_ =	swait.ge @!p0 [sflag:s0], s1  }
0x227: {  	s1 =	ssub.s32 @!p0 $0x0, s1;
	[sflag:s0] =	ssyncset.done @!p0 $0x0  }
0x228: {  	[sflag:s0] =	ssyncadd.s32 @!p0 s1  }
0x229: {  	[bflag:$0x3] =	sbarrier.arrive $0xFFFF  }
0x22a: {  	_ =	shalt  }

</sc_bundles>
